<compile_context>
chip_gen: v7x
topology: tpu7x:2x2x1
jax: 0.10.2.dev20260603
libtpu: 0.0.44.dev20260713+nightly
codegen_flags: <defaults>
</compile_context>

<pallas_src>
import dataclasses
import functools

import jax
import jax.numpy as jnp
from jax import lax
from jax.experimental import pallas as pl
from jax.experimental.pallas import tpu as pltpu
from jax.experimental.pallas import tpu_sc as plsc

N = 10000
E = 320000
D = 128

NC = 2
NS = 16
L = 16
NW = NC * NS
EPW = E // NW
C = 125
NCHUNK = EPW // C
ZR = 80
NZ = N // ZR


def _tc_matmul(x, w):
    def body(x_ref, w_ref, o_ref):
        o_ref[...] = jnp.dot(x_ref[...], w_ref[...],
                             preferred_element_type=jnp.float32)

    return pl.pallas_call(
        body,
        out_shape=jax.ShapeDtypeStruct((N, D), jnp.float32),
        grid=(10,),
        in_specs=[
            pl.BlockSpec((N // 10, D), lambda i: (i, 0)),
            pl.BlockSpec((D, D), lambda i: (0, 0)),
        ],
        out_specs=pl.BlockSpec((N // 10, D), lambda i: (i, 0)),
    )(x, w)


def _tc_combine(p0, p1, b2d):
    def body(p0_ref, p1_ref, b_ref, o_ref):
        o_ref[...] = jnp.maximum(p0_ref[...] + p1_ref[...] + b_ref[...], 0.0)

    return pl.pallas_call(
        body,
        out_shape=jax.ShapeDtypeStruct((N, D), jnp.float32),
        grid=(10,),
        in_specs=[
            pl.BlockSpec((N // 10, D), lambda i: (i, 0)),
            pl.BlockSpec((N // 10, D), lambda i: (i, 0)),
            pl.BlockSpec((1, D), lambda i: (0, 0)),
        ],
        out_specs=pl.BlockSpec((N // 10, D), lambda i: (i, 0)),
    )(p0, p1, b2d)


def _sc_segment_sum(support, edata):
    mesh = plsc.VectorSubcoreMesh(core_axis_name="c", subcore_axis_name="s")
    cp = pltpu.CompilerParams()
    if "needs_layout_passes" in pltpu.CompilerParams.__dataclass_fields__:
        cp = dataclasses.replace(cp, needs_layout_passes=False)

    @functools.partial(
        pl.kernel,
        mesh=mesh,
        compiler_params=cp,
        out_type=jax.ShapeDtypeStruct((NC, N, D), jnp.float32),
        scratch_types=[
            pltpu.VMEM((3, C), jnp.int32),
            pltpu.VMEM((3, C), jnp.int32),
            pltpu.VMEM((3, C), jnp.int32),
            pltpu.VMEM((3, C), jnp.int32),
            pltpu.VMEM((C, D), jnp.float32),
            pltpu.VMEM((C, D), jnp.float32),
            pltpu.VMEM((ZR, D), jnp.float32),
            pltpu.VMEM_SHARED((N, D), jnp.float32),
            pltpu.SemaphoreType.DMA,
            pltpu.SemaphoreType.DMA,
            pltpu.SemaphoreType.DMA,
            pltpu.SemaphoreType.DMA,
            pltpu.SemaphoreType.DMA,
            pltpu.SemaphoreType.DMA,
        ],
    )
    def k(sup_hbm, e_hbm, out_hbm,
          ib0, ib1, ib2, ib3, rows0, rows1, zero_v, acc_sh,
          gsem0, gsem1, isem0, isem1, isem2, isem3):
        cid = lax.axis_index("c")
        sid = lax.axis_index("s")
        wid = sid * NC + cid
        ibs = (ib0, ib1, ib2, ib3)
        isems = (isem0, isem1, isem2, isem3)
        rows = (rows0, rows1)
        gsems = (gsem0, gsem1)

        zero = jnp.zeros((L,), jnp.float32)

        @pl.loop(0, ZR)
        def _(r):
            for j in range(D // L):
                zero_v[r, pl.ds(j * L, L)] = zero

        @pl.loop(sid, NZ, step=NS)
        def _(i):
            pltpu.sync_copy(zero_v, acc_sh.at[pl.ds(i * ZR, ZR)])

        plsc.subcore_barrier()

        CH = 64

        def gather_issue(ib_k, rows_k, gsem_k):
            pltpu.async_copy(sup_hbm.at[ib_k.at[0, pl.ds(0, CH)]],
                             rows_k.at[pl.ds(0, CH)], gsem_k)
            pltpu.async_copy(sup_hbm.at[ib_k.at[0, pl.ds(CH, C - CH)]],
                             rows_k.at[pl.ds(CH, C - CH)], gsem_k)

        def gather_wait(ib_k, rows_k, gsem_k):
            pltpu.make_async_copy(sup_hbm.at[ib_k.at[0, pl.ds(0, CH)]],
                                  rows_k.at[pl.ds(0, CH)], gsem_k).wait()
            pltpu.make_async_copy(sup_hbm.at[ib_k.at[0, pl.ds(CH, C - CH)]],
                                  rows_k.at[pl.ds(CH, C - CH)], gsem_k).wait()

        pltpu.sync_copy(e_hbm.at[wid, 0], ib0)
        pltpu.sync_copy(e_hbm.at[wid, 1], ib1)
        gather_issue(ib0, rows0, gsem0)
        gather_issue(ib1, rows1, gsem1)
        pltpu.async_copy(e_hbm.at[wid, 2], ib2, isem2)
        pltpu.async_copy(e_hbm.at[wid, 3], ib3, isem3)

        two16 = jnp.full((L,), 2, jnp.int32)

        @pl.loop(0, NCHUNK, step=4)
        def _(ci):
            for kk in range(4):
                cur = ci + kk
                ib_k = ibs[kk]
                rows_k = rows[kk % 2]
                gsem_k = gsems[kk % 2]
                ib_n = ibs[(kk + 2) % 4]
                isem_n = isems[(kk + 2) % 4]

                gather_wait(ib_k, rows_k, gsem_k)

                @plsc.parallel_loop(0, C, 1, unroll=2)
                def _(e):
                    wbits = plsc.load_gather(
                        ib_k, [two16, jnp.full((L,), e, jnp.int32)])
                    w16 = plsc.bitcast(wbits, jnp.float32)
                    for j in range(D // L):
                        rows_k[e, pl.ds(j * L, L)] = (
                            rows_k[e, pl.ds(j * L, L)] * w16)

                pltpu.sync_copy(rows_k, acc_sh.at[ib_k.at[1]], add=True)

                @pl.when(cur + 2 < NCHUNK)
                def _():
                    pltpu.make_async_copy(
                        e_hbm.at[wid, cur + 2], ib_n, isem_n).wait()
                    gather_issue(ib_n, rows_k, gsem_k)

                @pl.when(cur + 4 < NCHUNK)
                def _():
                    pltpu.async_copy(e_hbm.at[wid, cur + 4], ib_k,
                                     isems[kk])

        plsc.subcore_barrier()

        @pl.loop(sid, NZ, step=NS)
        def _(i):
            r0 = i * ZR
            pltpu.sync_copy(acc_sh.at[pl.ds(r0, ZR)],
                            out_hbm.at[cid, pl.ds(r0, ZR)])

    return k(support, edata)


def kernel(node_features, edge_index, edge_weight, kernel, bias):
    support = _tc_matmul(node_features, kernel)
    wbits = jax.lax.bitcast_convert_type(edge_weight, jnp.int32)
    edata = jnp.stack(
        [edge_index[0].reshape(NW, NCHUNK, C),
         edge_index[1].reshape(NW, NCHUNK, C),
         wbits.reshape(NW, NCHUNK, C)], axis=2)
    partials = _sc_segment_sum(support, edata)
    b2d = bias.reshape(1, D)
    return _tc_combine(partials[0], partials[1], b2d)

# --- scband reference (transcript-rebuilt; emitter-appended) ---
"""Pipeline reference for scband-gcnlayer-8727373545860 (READ-ONLY COPY).

The authoritative reference and input builder live on the scoring server;
editing this copy changes nothing except your own understanding.
"""

import jax, jax.numpy as jnp
import numpy as np

N = 10000
E = 320000
D_IN = 128
D_OUT = 128


def setup_inputs(seed: int = 0) -> dict:
    key = jax.random.key(seed)
    k1, k2, k3, k4, k5 = jax.random.split(key, 5)
    node_features = jax.random.normal(k1, (N, D_IN), dtype=jnp.float32)
    # adjacency in COO form: row 0 = src, row 1 = dst; values = edge weights
    edge_index = jax.random.randint(k2, (2, E), 0, N, dtype=jnp.int32)
    edge_weight = jax.random.uniform(k3, (E,), dtype=jnp.float32)
    # learned params (glorot-ish init)
    limit = float(np.sqrt(6.0 / (D_IN + D_OUT)))
    kernel = jax.random.uniform(k4, (D_IN, D_OUT), dtype=jnp.float32, minval=-limit, maxval=limit)
    bias = jnp.zeros((D_OUT,), dtype=jnp.float32)
    return {"node_features": node_features, "edge_index": edge_index, "edge_weight": edge_weight, "kernel": kernel, "bias": bias}


def reference(node_features, edge_index, edge_weight, kernel, bias):
    # support = X @ W
    support = jnp.matmul(node_features, kernel)
    # output = A_sparse @ support, with A given in COO (src, dst, weight)
    src = edge_index[0]
    dst = edge_index[1]
    gathered = jnp.take(support, src, axis=0)  # [E, D_OUT]
    msgs = gathered * edge_weight[:, None]
    out = jax.ops.segment_sum(msgs, dst, num_segments=N)
    out = out + bias
    out = jax.nn.relu(out)
    return out

if __name__ == "__main__":
    import jax
    _d = setup_inputs()
    print(jax.jit(kernel)(*tuple(_d.values())))

</pallas_src>

<mosaic_0001>
#map = affine_map<(d0, d1) -> (0, 0)>
#map1 = affine_map<(d0, d1) -> (0, 0, 0, 0)>
#map2 = affine_map<(d0, d1) -> (0, 0, 0)>
module attributes {stable_mosaic.version = 14 : i64} {
  func.func @k(%arg0: i32, %arg1: i32, %arg2: memref<10000x128xf32, #tpu.memory_space<hbm>>, %arg3: memref<32x80x3x125xi32, #tpu.memory_space<hbm>>, %arg4: memref<2x10000x128xf32, #tpu.memory_space<hbm>>, %arg5: memref<3x125xi32, #tpu.memory_space<vmem>>, %arg6: memref<3x125xi32, #tpu.memory_space<vmem>>, %arg7: memref<3x125xi32, #tpu.memory_space<vmem>>, %arg8: memref<3x125xi32, #tpu.memory_space<vmem>>, %arg9: memref<125x128xf32, #tpu.memory_space<vmem>>, %arg10: memref<125x128xf32, #tpu.memory_space<vmem>>, %arg11: memref<80x128xf32, #tpu.memory_space<vmem>>, %arg12: memref<10000x128xf32, #tpu.memory_space<vmem_shared>>, %arg13: memref<!tpu.dma_semaphore, #tpu.memory_space<semaphore_mem>>, %arg14: memref<!tpu.dma_semaphore, #tpu.memory_space<semaphore_mem>>, %arg15: memref<!tpu.dma_semaphore, #tpu.memory_space<semaphore_mem>>, %arg16: memref<!tpu.dma_semaphore, #tpu.memory_space<semaphore_mem>>, %arg17: memref<!tpu.dma_semaphore, #tpu.memory_space<semaphore_mem>>, %arg18: memref<!tpu.dma_semaphore, #tpu.memory_space<semaphore_mem>>) attributes {dimension_semantics = [#tpu.dimension_semantics<core_parallel>, #tpu.dimension_semantics<subcore_parallel>], iteration_bounds = array<i64: 2, 16>, scalar_prefetch = 0 : i64, scratch_operands = 14 : i64, tpu.core_type = #tpu.core_type<sc_vector_subcore>, window_params = [{transform_indices = #map}, {transform_indices = #map1}, {transform_indices = #map2}]} {
    %mul3A = arith.constant 2 : i32
    %mul3A_0 = arith.muli %arg1, %mul3A : i32
    %add3A = arith.addi %mul3A_0, %arg0 : i32
    %broadcast_in_dim3A = arith.constant 0.000000e+00 : f32
    %broadcast_in_dim3A_1 = vector.broadcast %broadcast_in_dim3A : f32 to vector<16xf32>
    %scan3A = arith.constant 0 : i32
    %scan3A_2 = arith.constant 80 : i32
    %scan3A_3 = arith.addi %scan3A, %scan3A_2 : i32
    %scan3A_4 = arith.constant 1 : i32
    scf.for %scan3A_105 = %scan3A to %scan3A_3 step %scan3A_4  : i32 {
      %mul3A_106 = arith.constant 1 : i32
      %mul3A_107 = arith.muli %scan3A_105, %mul3A_106 : i32
      %add3A_108 = arith.constant 0 : i32
      %add3A_109 = arith.addi %add3A_108, %mul3A_107 : i32
      %swap3A = arith.index_cast %add3A_109 : i32 to index
      %swap3A_110 = arith.constant 0 : index
      %swap3A_111 = tpu.vector_load %arg11[%swap3A, %swap3A_110] {strides = array<i32>} : memref<80x128xf32, #tpu.memory_space<vmem>>, vector<16xf32>,
      tpu.vector_store %arg11[%swap3A, %swap3A_110], %broadcast_in_dim3A_1 {strides = array<i32>} : memref<80x128xf32, #tpu.memory_space<vmem>>, vector<16xf32>,
      %swap3A_112 = arith.index_cast %add3A_109 : i32 to index
      %swap3A_113 = arith.constant 16 : index
      %swap3A_114 = tpu.vector_load %arg11[%swap3A_112, %swap3A_113] {strides = array<i32>} : memref<80x128xf32, #tpu.memory_space<vmem>>, vector<16xf32>,
      tpu.vector_store %arg11[%swap3A_112, %swap3A_113], %broadcast_in_dim3A_1 {strides = array<i32>} : memref<80x128xf32, #tpu.memory_space<vmem>>, vector<16xf32>,
      %swap3A_115 = arith.index_cast %add3A_109 : i32 to index
      %swap3A_116 = arith.constant 32 : index
      %swap3A_117 = tpu.vector_load %arg11[%swap3A_115, %swap3A_116] {strides = array<i32>} : memref<80x128xf32, #tpu.memory_space<vmem>>, vector<16xf32>,
      tpu.vector_store %arg11[%swap3A_115, %swap3A_116], %broadcast_in_dim3A_1 {strides = array<i32>} : memref<80x128xf32, #tpu.memory_space<vmem>>, vector<16xf32>,
      %swap3A_118 = arith.index_cast %add3A_109 : i32 to index
      %swap3A_119 = arith.constant 48 : index
      %swap3A_120 = tpu.vector_load %arg11[%swap3A_118, %swap3A_119] {strides = array<i32>} : memref<80x128xf32, #tpu.memory_space<vmem>>, vector<16xf32>,
      tpu.vector_store %arg11[%swap3A_118, %swap3A_119], %broadcast_in_dim3A_1 {strides = array<i32>} : memref<80x128xf32, #tpu.memory_space<vmem>>, vector<16xf32>,
      %swap3A_121 = arith.index_cast %add3A_109 : i32 to index
      %swap3A_122 = arith.constant 64 : index
      %swap3A_123 = tpu.vector_load %arg11[%swap3A_121, %swap3A_122] {strides = array<i32>} : memref<80x128xf32, #tpu.memory_space<vmem>>, vector<16xf32>,
      tpu.vector_store %arg11[%swap3A_121, %swap3A_122], %broadcast_in_dim3A_1 {strides = array<i32>} : memref<80x128xf32, #tpu.memory_space<vmem>>, vector<16xf32>,
      %swap3A_124 = arith.index_cast %add3A_109 : i32 to index
      %swap3A_125 = arith.constant 80 : index
      %swap3A_126 = tpu.vector_load %arg11[%swap3A_124, %swap3A_125] {strides = array<i32>} : memref<80x128xf32, #tpu.memory_space<vmem>>, vector<16xf32>,
      tpu.vector_store %arg11[%swap3A_124, %swap3A_125], %broadcast_in_dim3A_1 {strides = array<i32>} : memref<80x128xf32, #tpu.memory_space<vmem>>, vector<16xf32>,
      %swap3A_127 = arith.index_cast %add3A_109 : i32 to index
      %swap3A_128 = arith.constant 96 : index
      %swap3A_129 = tpu.vector_load %arg11[%swap3A_127, %swap3A_128] {strides = array<i32>} : memref<80x128xf32, #tpu.memory_space<vmem>>, vector<16xf32>,
      tpu.vector_store %arg11[%swap3A_127, %swap3A_128], %broadcast_in_dim3A_1 {strides = array<i32>} : memref<80x128xf32, #tpu.memory_space<vmem>>, vector<16xf32>,
      %swap3A_130 = arith.index_cast %add3A_109 : i32 to index
      %swap3A_131 = arith.constant 112 : index
      %swap3A_132 = tpu.vector_load %arg11[%swap3A_130, %swap3A_131] {strides = array<i32>} : memref<80x128xf32, #tpu.memory_space<vmem>>, vector<16xf32>,
      tpu.vector_store %arg11[%swap3A_130, %swap3A_131], %broadcast_in_dim3A_1 {strides = array<i32>} : memref<80x128xf32, #tpu.memory_space<vmem>>, vector<16xf32>,
    }
    %scan3A_5 = arith.constant 80 : i32
    %sub3A = arith.constant 125 : i32
    %sub3A_6 = arith.subi %sub3A, %arg1 : i32
    %sub3A_7 = arith.constant 16 : i32
    %sub3A_8 = arith.constant 1 : i32
    %sub3A_9 = arith.subi %sub3A_7, %sub3A_8 : i32
    %add3A_10 = arith.addi %sub3A_6, %sub3A_9 : i32
    %div3A = arith.constant 16 : i32
    %div3A_11 = arith.divsi %add3A_10, %div3A : i32
    %while3A = arith.constant 16 : i32
    %while3A_12 = arith.constant 0 : i32
    %while3A_13 = arith.subi %div3A_11, %while3A_12 : i32
    %while3A_14 = arith.addi %while3A_12, %while3A_13 : i32
    %while3A_15 = arith.constant 1 : i32
    %while3A_16 = arith.divsi %while3A_13, %while3A_15 : i32
    %while3A_17 = arith.muli %while3A_16, %while3A_15 : i32
    %while3A_18 = arith.addi %while3A_12, %while3A_17 : i32
    %while3A_19 = arith.constant 1 : i32
    scf.for %while3A_105 = %while3A_12 to %while3A_18 step %while3A_19  : i32 {
      %mul3A_106 = arith.muli %while3A_105, %while3A : i32
      %add3A_107 = arith.addi %arg1, %mul3A_106 : i32
      %mul3A_108 = arith.constant 80 : i32
      %mul3A_109 = arith.muli %add3A_107, %mul3A_108 : i32
      "tpu.region"() ({
        %run_scoped3A_110 = tpu.sem_alloc : memref<!tpu.dma_semaphore, #tpu.memory_space<semaphore_mem>>
        %dma_start3A_111 = arith.constant 0 : i32
        %dma_start3A_112 = tpu.memref_slice %arg12[%mul3A_109, %dma_start3A_111] : memref<10000x128xf32, #tpu.memory_space<vmem_shared>> -> memref<80x128xf32, #tpu.memory_space<vmem_shared>>
        %dma_start3A_113 = arith.constant 0 : i32
        %dma_start3A_114 = tpu.memref_slice %arg12[%mul3A_109, %dma_start3A_113] : memref<10000x128xf32, #tpu.memory_space<vmem_shared>> -> memref<80x128xf32, #tpu.memory_space<vmem_shared>>
        tpu.enqueue_dma source(%arg11 : memref<80x128xf32, #tpu.memory_space<vmem>>) target(%dma_start3A_114 : memref<80x128xf32, #tpu.memory_space<vmem_shared>>) target_semaphore(%run_scoped3A_110 : memref<!tpu.dma_semaphore, #tpu.memory_space<semaphore_mem>>)
        %dma_wait3A = arith.constant 0 : i32
        %dma_wait3A_115 = tpu.memref_slice %arg12[%mul3A_109, %dma_wait3A] : memref<10000x128xf32, #tpu.memory_space<vmem_shared>> -> memref<80x128xf32, #tpu.memory_space<vmem_shared>>
        %dma_wait3A_116 = arith.constant 0 : i32
        %dma_wait3A_117 = tpu.memref_slice %arg12[%mul3A_109, %dma_wait3A_116] : memref<10000x128xf32, #tpu.memory_space<vmem_shared>> -> memref<80x128xf32, #tpu.memory_space<vmem_shared>>
        tpu.wait_dma2 semaphore(%run_scoped3A_110 : memref<!tpu.dma_semaphore, #tpu.memory_space<semaphore_mem>>) src(%arg11 : memref<80x128xf32, #tpu.memory_space<vmem>>) dst(%dma_wait3A_117 : memref<80x128xf32, #tpu.memory_space<vmem_shared>>)
        tpu.yield
      }) : () -> ()
    }
    %while3A_20 = arith.constant 1 : i32
    scf.for %while3A_105 = %while3A_18 to %while3A_14 step %while3A_20  : i32 {
      %mul3A_106 = arith.muli %while3A_105, %while3A : i32
      %add3A_107 = arith.addi %arg1, %mul3A_106 : i32
      %mul3A_108 = arith.constant 80 : i32
      %mul3A_109 = arith.muli %add3A_107, %mul3A_108 : i32
      "tpu.region"() ({
        %run_scoped3A_110 = tpu.sem_alloc : memref<!tpu.dma_semaphore, #tpu.memory_space<semaphore_mem>>
        %dma_start3A_111 = arith.constant 0 : i32
        %dma_start3A_112 = tpu.memref_slice %arg12[%mul3A_109, %dma_start3A_111] : memref<10000x128xf32, #tpu.memory_space<vmem_shared>> -> memref<80x128xf32, #tpu.memory_space<vmem_shared>>
        %dma_start3A_113 = arith.constant 0 : i32
        %dma_start3A_114 = tpu.memref_slice %arg12[%mul3A_109, %dma_start3A_113] : memref<10000x128xf32, #tpu.memory_space<vmem_shared>> -> memref<80x128xf32, #tpu.memory_space<vmem_shared>>
        tpu.enqueue_dma source(%arg11 : memref<80x128xf32, #tpu.memory_space<vmem>>) target(%dma_start3A_114 : memref<80x128xf32, #tpu.memory_space<vmem_shared>>) target_semaphore(%run_scoped3A_110 : memref<!tpu.dma_semaphore, #tpu.memory_space<semaphore_mem>>)
        %dma_wait3A = arith.constant 0 : i32
        %dma_wait3A_115 = tpu.memref_slice %arg12[%mul3A_109, %dma_wait3A] : memref<10000x128xf32, #tpu.memory_space<vmem_shared>> -> memref<80x128xf32, #tpu.memory_space<vmem_shared>>
        %dma_wait3A_116 = arith.constant 0 : i32
        %dma_wait3A_117 = tpu.memref_slice %arg12[%mul3A_109, %dma_wait3A_116] : memref<10000x128xf32, #tpu.memory_space<vmem_shared>> -> memref<80x128xf32, #tpu.memory_space<vmem_shared>>
        tpu.wait_dma2 semaphore(%run_scoped3A_110 : memref<!tpu.dma_semaphore, #tpu.memory_space<semaphore_mem>>) src(%arg11 : memref<80x128xf32, #tpu.memory_space<vmem>>) dst(%dma_wait3A_117 : memref<80x128xf32, #tpu.memory_space<vmem_shared>>)
        tpu.yield
      }) : () -> ()
    }
    %barrier3A = arith.constant 0 : index
    tpu.barrier barrier_id(%barrier3A)
    %run_scoped3A = arith.constant 0 : i32
    "tpu.region"() ({
      %run_scoped3A_105 = tpu.sem_alloc : memref<!tpu.dma_semaphore, #tpu.memory_space<semaphore_mem>>
      %dma_start3A_106 = arith.constant 0 : i32
      %dma_start3A_107 = arith.constant 0 : i32
      %dma_start3A_108 = tpu.memref_slice %arg3[%add3A, %run_scoped3A, %dma_start3A_106, %dma_start3A_107] : memref<32x80x3x125xi32, #tpu.memory_space<hbm>> -> memref<1x1x3x125xi32, #tpu.memory_space<hbm>>
      %dma_start3A_109 = tpu.memref_squeeze %dma_start3A_108 : memref<1x1x3x125xi32, #tpu.memory_space<hbm>> -> memref<3x125xi32, #tpu.memory_space<hbm>>
      %dma_start3A_110 = arith.constant 0 : i32
      %dma_start3A_111 = arith.constant 0 : i32
      %dma_start3A_112 = tpu.memref_slice %arg3[%add3A, %run_scoped3A, %dma_start3A_110, %dma_start3A_111] : memref<32x80x3x125xi32, #tpu.memory_space<hbm>> -> memref<1x1x3x125xi32, #tpu.memory_space<hbm>>
      %dma_start3A_113 = tpu.memref_squeeze %dma_start3A_112 : memref<1x1x3x125xi32, #tpu.memory_space<hbm>> -> memref<3x125xi32, #tpu.memory_space<hbm>>
      tpu.enqueue_dma source(%dma_start3A_113 : memref<3x125xi32, #tpu.memory_space<hbm>>) target(%arg5 : memref<3x125xi32, #tpu.memory_space<vmem>>) target_semaphore(%run_scoped3A_105 : memref<!tpu.dma_semaphore, #tpu.memory_space<semaphore_mem>>)
      %dma_wait3A = arith.constant 0 : i32
      %dma_wait3A_114 = arith.constant 0 : i32
      %dma_wait3A_115 = tpu.memref_slice %arg3[%add3A, %run_scoped3A, %dma_wait3A, %dma_wait3A_114] : memref<32x80x3x125xi32, #tpu.memory_space<hbm>> -> memref<1x1x3x125xi32, #tpu.memory_space<hbm>>
      %dma_wait3A_116 = tpu.memref_squeeze %dma_wait3A_115 : memref<1x1x3x125xi32, #tpu.memory_space<hbm>> -> memref<3x125xi32, #tpu.memory_space<hbm>>
      %dma_wait3A_117 = arith.constant 0 : i32
      %dma_wait3A_118 = arith.constant 0 : i32
      %dma_wait3A_119 = tpu.memref_slice %arg3[%add3A, %run_scoped3A, %dma_wait3A_117, %dma_wait3A_118] : memref<32x80x3x125xi32, #tpu.memory_space<hbm>> -> memref<1x1x3x125xi32, #tpu.memory_space<hbm>>
      %dma_wait3A_120 = tpu.memref_squeeze %dma_wait3A_119 : memref<1x1x3x125xi32, #tpu.memory_space<hbm>> -> memref<3x125xi32, #tpu.memory_space<hbm>>
      tpu.wait_dma2 semaphore(%run_scoped3A_105 : memref<!tpu.dma_semaphore, #tpu.memory_space<semaphore_mem>>) src(%dma_wait3A_120 : memref<3x125xi32, #tpu.memory_space<hbm>>) dst(%arg5 : memref<3x125xi32, #tpu.memory_space<vmem>>)
      tpu.yield
    }) : () -> ()
    %run_scoped3A_21 = arith.constant 1 : i32
    "tpu.region"() ({
      %run_scoped3A_105 = tpu.sem_alloc : memref<!tpu.dma_semaphore, #tpu.memory_space<semaphore_mem>>
      %dma_start3A_106 = arith.constant 0 : i32
      %dma_start3A_107 = arith.constant 0 : i32
      %dma_start3A_108 = tpu.memref_slice %arg3[%add3A, %run_scoped3A_21, %dma_start3A_106, %dma_start3A_107] : memref<32x80x3x125xi32, #tpu.memory_space<hbm>> -> memref<1x1x3x125xi32, #tpu.memory_space<hbm>>
      %dma_start3A_109 = tpu.memref_squeeze %dma_start3A_108 : memref<1x1x3x125xi32, #tpu.memory_space<hbm>> -> memref<3x125xi32, #tpu.memory_space<hbm>>
      %dma_start3A_110 = arith.constant 0 : i32
      %dma_start3A_111 = arith.constant 0 : i32
      %dma_start3A_112 = tpu.memref_slice %arg3[%add3A, %run_scoped3A_21, %dma_start3A_110, %dma_start3A_111] : memref<32x80x3x125xi32, #tpu.memory_space<hbm>> -> memref<1x1x3x125xi32, #tpu.memory_space<hbm>>
      %dma_start3A_113 = tpu.memref_squeeze %dma_start3A_112 : memref<1x1x3x125xi32, #tpu.memory_space<hbm>> -> memref<3x125xi32, #tpu.memory_space<hbm>>
      tpu.enqueue_dma source(%dma_start3A_113 : memref<3x125xi32, #tpu.memory_space<hbm>>) target(%arg6 : memref<3x125xi32, #tpu.memory_space<vmem>>) target_semaphore(%run_scoped3A_105 : memref<!tpu.dma_semaphore, #tpu.memory_space<semaphore_mem>>)
      %dma_wait3A = arith.constant 0 : i32
      %dma_wait3A_114 = arith.constant 0 : i32
      %dma_wait3A_115 = tpu.memref_slice %arg3[%add3A, %run_scoped3A_21, %dma_wait3A, %dma_wait3A_114] : memref<32x80x3x125xi32, #tpu.memory_space<hbm>> -> memref<1x1x3x125xi32, #tpu.memory_space<hbm>>
      %dma_wait3A_116 = tpu.memref_squeeze %dma_wait3A_115 : memref<1x1x3x125xi32, #tpu.memory_space<hbm>> -> memref<3x125xi32, #tpu.memory_space<hbm>>
      %dma_wait3A_117 = arith.constant 0 : i32
      %dma_wait3A_118 = arith.constant 0 : i32
      %dma_wait3A_119 = tpu.memref_slice %arg3[%add3A, %run_scoped3A_21, %dma_wait3A_117, %dma_wait3A_118] : memref<32x80x3x125xi32, #tpu.memory_space<hbm>> -> memref<1x1x3x125xi32, #tpu.memory_space<hbm>>
      %dma_wait3A_120 = tpu.memref_squeeze %dma_wait3A_119 : memref<1x1x3x125xi32, #tpu.memory_space<hbm>> -> memref<3x125xi32, #tpu.memory_space<hbm>>
      tpu.wait_dma2 semaphore(%run_scoped3A_105 : memref<!tpu.dma_semaphore, #tpu.memory_space<semaphore_mem>>) src(%dma_wait3A_120 : memref<3x125xi32, #tpu.memory_space<hbm>>) dst(%arg6 : memref<3x125xi32, #tpu.memory_space<vmem>>)
      tpu.yield
    }) : () -> ()
    %dma_start3A = arith.constant 0 : i32
    %dma_start3A_22 = arith.constant 0 : i32
    %dma_start3A_23 = arith.constant 0 : i32
    %dma_start3A_24 = tpu.memref_slice %arg9[%dma_start3A_22, %dma_start3A_23] : memref<125x128xf32, #tpu.memory_space<vmem>> -> memref<64x128xf32, #tpu.memory_space<vmem>>
    %dma_start3A_25 = arith.constant 0 : i32
    %dma_start3A_26 = tpu.memref_slice %arg5[%dma_start3A, %dma_start3A_25] : memref<3x125xi32, #tpu.memory_space<vmem>> -> memref<1x64xi32, #tpu.memory_space<vmem>>
    %dma_start3A_27 = tpu.memref_squeeze %dma_start3A_26 : memref<1x64xi32, #tpu.memory_space<vmem>> -> memref<64xi32, #tpu.memory_space<vmem>>
    %dma_start3A_28 = arith.constant 0 : i32
    %dma_start3A_29 = arith.constant 0 : i32
    %dma_start3A_30 = tpu.memref_slice %arg2[%dma_start3A_28, %dma_start3A_29] : memref<10000x128xf32, #tpu.memory_space<hbm>> -> memref<10000x128xf32, #tpu.memory_space<hbm>>
    tpu.enqueue_indirect_dma source(%dma_start3A_30 : memref<10000x128xf32, #tpu.memory_space<hbm>>) target(%dma_start3A_24 : memref<64x128xf32, #tpu.memory_space<vmem>>) offsets(%dma_start3A_27 : memref<64xi32, #tpu.memory_space<vmem>>) semaphore(%arg13 : memref<!tpu.dma_semaphore, #tpu.memory_space<semaphore_mem>>)
    %dma_start3A_31 = arith.constant 0 : i32
    %dma_start3A_32 = arith.constant 64 : i32
    %dma_start3A_33 = arith.constant 0 : i32
    %dma_start3A_34 = tpu.memref_slice %arg9[%dma_start3A_32, %dma_start3A_33] : memref<125x128xf32, #tpu.memory_space<vmem>> -> memref<61x128xf32, #tpu.memory_space<vmem>>
    %dma_start3A_35 = arith.constant 64 : i32
    %dma_start3A_36 = tpu.memref_slice %arg5[%dma_start3A_31, %dma_start3A_35] : memref<3x125xi32, #tpu.memory_space<vmem>> -> memref<1x61xi32, #tpu.memory_space<vmem>>
    %dma_start3A_37 = tpu.memref_squeeze %dma_start3A_36 : memref<1x61xi32, #tpu.memory_space<vmem>> -> memref<61xi32, #tpu.memory_space<vmem>>
    %dma_start3A_38 = arith.constant 0 : i32
    %dma_start3A_39 = arith.constant 0 : i32
    %dma_start3A_40 = tpu.memref_slice %arg2[%dma_start3A_38, %dma_start3A_39] : memref<10000x128xf32, #tpu.memory_space<hbm>> -> memref<10000x128xf32, #tpu.memory_space<hbm>>
    tpu.enqueue_indirect_dma source(%dma_start3A_40 : memref<10000x128xf32, #tpu.memory_space<hbm>>) target(%dma_start3A_34 : memref<61x128xf32, #tpu.memory_space<vmem>>) offsets(%dma_start3A_37 : memref<61xi32, #tpu.memory_space<vmem>>) semaphore(%arg13 : memref<!tpu.dma_semaphore, #tpu.memory_space<semaphore_mem>>)
    %dma_start3A_41 = arith.constant 0 : i32
    %dma_start3A_42 = arith.constant 0 : i32
    %dma_start3A_43 = arith.constant 0 : i32
    %dma_start3A_44 = tpu.memref_slice %arg10[%dma_start3A_42, %dma_start3A_43] : memref<125x128xf32, #tpu.memory_space<vmem>> -> memref<64x128xf32, #tpu.memory_space<vmem>>
    %dma_start3A_45 = arith.constant 0 : i32
    %dma_start3A_46 = tpu.memref_slice %arg6[%dma_start3A_41, %dma_start3A_45] : memref<3x125xi32, #tpu.memory_space<vmem>> -> memref<1x64xi32, #tpu.memory_space<vmem>>
    %dma_start3A_47 = tpu.memref_squeeze %dma_start3A_46 : memref<1x64xi32, #tpu.memory_space<vmem>> -> memref<64xi32, #tpu.memory_space<vmem>>
    %dma_start3A_48 = arith.constant 0 : i32
    %dma_start3A_49 = arith.constant 0 : i32
    %dma_start3A_50 = tpu.memref_slice %arg2[%dma_start3A_48, %dma_start3A_49] : memref<10000x128xf32, #tpu.memory_space<hbm>> -> memref<10000x128xf32, #tpu.memory_space<hbm>>
    tpu.enqueue_indirect_dma source(%dma_start3A_50 : memref<10000x128xf32, #tpu.memory_space<hbm>>) target(%dma_start3A_44 : memref<64x128xf32, #tpu.memory_space<vmem>>) offsets(%dma_start3A_47 : memref<64xi32, #tpu.memory_space<vmem>>) semaphore(%arg14 : memref<!tpu.dma_semaphore, #tpu.memory_space<semaphore_mem>>)
    %dma_start3A_51 = arith.constant 0 : i32
    %dma_start3A_52 = arith.constant 64 : i32
    %dma_start3A_53 = arith.constant 0 : i32
    %dma_start3A_54 = tpu.memref_slice %arg10[%dma_start3A_52, %dma_start3A_53] : memref<125x128xf32, #tpu.memory_space<vmem>> -> memref<61x128xf32, #tpu.memory_space<vmem>>
    %dma_start3A_55 = arith.constant 64 : i32
    %dma_start3A_56 = tpu.memref_slice %arg6[%dma_start3A_51, %dma_start3A_55] : memref<3x125xi32, #tpu.memory_space<vmem>> -> memref<1x61xi32, #tpu.memory_space<vmem>>
    %dma_start3A_57 = tpu.memref_squeeze %dma_start3A_56 : memref<1x61xi32, #tpu.memory_space<vmem>> -> memref<61xi32, #tpu.memory_space<vmem>>
    %dma_start3A_58 = arith.constant 0 : i32
    %dma_start3A_59 = arith.constant 0 : i32
    %dma_start3A_60 = tpu.memref_slice %arg2[%dma_start3A_58, %dma_start3A_59] : memref<10000x128xf32, #tpu.memory_space<hbm>> -> memref<10000x128xf32, #tpu.memory_space<hbm>>
    tpu.enqueue_indirect_dma source(%dma_start3A_60 : memref<10000x128xf32, #tpu.memory_space<hbm>>) target(%dma_start3A_54 : memref<61x128xf32, #tpu.memory_space<vmem>>) offsets(%dma_start3A_57 : memref<61xi32, #tpu.memory_space<vmem>>) semaphore(%arg14 : memref<!tpu.dma_semaphore, #tpu.memory_space<semaphore_mem>>)
    %dma_start3A_61 = arith.constant 2 : i32
    %dma_start3A_62 = arith.constant 0 : i32
    %dma_start3A_63 = arith.constant 0 : i32
    %dma_start3A_64 = tpu.memref_slice %arg3[%add3A, %dma_start3A_61, %dma_start3A_62, %dma_start3A_63] : memref<32x80x3x125xi32, #tpu.memory_space<hbm>> -> memref<1x1x3x125xi32, #tpu.memory_space<hbm>>
    %dma_start3A_65 = tpu.memref_squeeze %dma_start3A_64 : memref<1x1x3x125xi32, #tpu.memory_space<hbm>> -> memref<3x125xi32, #tpu.memory_space<hbm>>
    %dma_start3A_66 = arith.constant 0 : i32
    %dma_start3A_67 = arith.constant 0 : i32
    %dma_start3A_68 = tpu.memref_slice %arg3[%add3A, %dma_start3A_61, %dma_start3A_66, %dma_start3A_67] : memref<32x80x3x125xi32, #tpu.memory_space<hbm>> -> memref<1x1x3x125xi32, #tpu.memory_space<hbm>>
    %dma_start3A_69 = tpu.memref_squeeze %dma_start3A_68 : memref<1x1x3x125xi32, #tpu.memory_space<hbm>> -> memref<3x125xi32, #tpu.memory_space<hbm>>
    tpu.enqueue_dma source(%dma_start3A_69 : memref<3x125xi32, #tpu.memory_space<hbm>>) target(%arg7 : memref<3x125xi32, #tpu.memory_space<vmem>>) target_semaphore(%arg17 : memref<!tpu.dma_semaphore, #tpu.memory_space<semaphore_mem>>)
    %dma_start3A_70 = arith.constant 3 : i32
    %dma_start3A_71 = arith.constant 0 : i32
    %dma_start3A_72 = arith.constant 0 : i32
    %dma_start3A_73 = tpu.memref_slice %arg3[%add3A, %dma_start3A_70, %dma_start3A_71, %dma_start3A_72] : memref<32x80x3x125xi32, #tpu.memory_space<hbm>> -> memref<1x1x3x125xi32, #tpu.memory_space<hbm>>
    %dma_start3A_74 = tpu.memref_squeeze %dma_start3A_73 : memref<1x1x3x125xi32, #tpu.memory_space<hbm>> -> memref<3x125xi32, #tpu.memory_space<hbm>>
    %dma_start3A_75 = arith.constant 0 : i32
    %dma_start3A_76 = arith.constant 0 : i32
    %dma_start3A_77 = tpu.memref_slice %arg3[%add3A, %dma_start3A_70, %dma_start3A_75, %dma_start3A_76] : memref<32x80x3x125xi32, #tpu.memory_space<hbm>> -> memref<1x1x3x125xi32, #tpu.memory_space<hbm>>
    %dma_start3A_78 = tpu.memref_squeeze %dma_start3A_77 : memref<1x1x3x125xi32, #tpu.memory_space<hbm>> -> memref<3x125xi32, #tpu.memory_space<hbm>>
    tpu.enqueue_dma source(%dma_start3A_78 : memref<3x125xi32, #tpu.memory_space<hbm>>) target(%arg8 : memref<3x125xi32, #tpu.memory_space<vmem>>) target_semaphore(%arg18 : memref<!tpu.dma_semaphore, #tpu.memory_space<semaphore_mem>>)
    %broadcast_in_dim3A_79 = arith.constant 2 : i32
    %broadcast_in_dim3A_80 = vector.broadcast %broadcast_in_dim3A_79 : i32 to vector<16xi32>
    %scan3A_81 = arith.constant 0 : i32
    %scan3A_82 = arith.constant 20 : i32
    %scan3A_83 = arith.addi %scan3A_81, %scan3A_82 : i32
    %scan3A_84 = arith.constant 1 : i32
    scf.for %scan3A_105 = %scan3A_81 to %scan3A_83 step %scan3A_84  : i32 {
      %mul3A_106 = arith.constant 4 : i32
      %mul3A_107 = arith.muli %scan3A_105, %mul3A_106 : i32
      %add3A_108 = arith.constant 0 : i32
      %add3A_109 = arith.addi %add3A_108, %mul3A_107 : i32
      %add3A_110 = arith.constant 0 : i32
      %add3A_111 = arith.addi %add3A_109, %add3A_110 : i32
      %dma_wait3A = arith.constant 0 : i32
      %dma_wait3A_112 = arith.constant 0 : i32
      %dma_wait3A_113 = arith.constant 0 : i32
      %dma_wait3A_114 = tpu.memref_slice %arg9[%dma_wait3A_112, %dma_wait3A_113] : memref<125x128xf32, #tpu.memory_space<vmem>> -> memref<64x128xf32, #tpu.memory_space<vmem>>
      %dma_wait3A_115 = arith.constant 0 : i32
      %dma_wait3A_116 = tpu.memref_slice %arg5[%dma_wait3A, %dma_wait3A_115] : memref<3x125xi32, #tpu.memory_space<vmem>> -> memref<1x64xi32, #tpu.memory_space<vmem>>
      %dma_wait3A_117 = tpu.memref_squeeze %dma_wait3A_116 : memref<1x64xi32, #tpu.memory_space<vmem>> -> memref<64xi32, #tpu.memory_space<vmem>>
      %dma_wait3A_118 = arith.constant 0 : i32
      %dma_wait3A_119 = arith.constant 0 : i32
      %dma_wait3A_120 = tpu.memref_slice %arg2[%dma_wait3A_118, %dma_wait3A_119] : memref<10000x128xf32, #tpu.memory_space<hbm>> -> memref<10000x128xf32, #tpu.memory_space<hbm>>
      tpu.wait_indirect_dma semaphore(%arg13 : memref<!tpu.dma_semaphore, #tpu.memory_space<semaphore_mem>>) src(%dma_wait3A_120 : memref<10000x128xf32, #tpu.memory_space<hbm>>) dst(%dma_wait3A_114 : memref<64x128xf32, #tpu.memory_space<vmem>>)
      %dma_wait3A_121 = arith.constant 0 : i32
      %dma_wait3A_122 = arith.constant 64 : i32
      %dma_wait3A_123 = arith.constant 0 : i32
      %dma_wait3A_124 = tpu.memref_slice %arg9[%dma_wait3A_122, %dma_wait3A_123] : memref<125x128xf32, #tpu.memory_space<vmem>> -> memref<61x128xf32, #tpu.memory_space<vmem>>
      %dma_wait3A_125 = arith.constant 64 : i32
      %dma_wait3A_126 = tpu.memref_slice %arg5[%dma_wait3A_121, %dma_wait3A_125] : memref<3x125xi32, #tpu.memory_space<vmem>> -> memref<1x61xi32, #tpu.memory_space<vmem>>
      %dma_wait3A_127 = tpu.memref_squeeze %dma_wait3A_126 : memref<1x61xi32, #tpu.memory_space<vmem>> -> memref<61xi32, #tpu.memory_space<vmem>>
      %dma_wait3A_128 = arith.constant 0 : i32
      %dma_wait3A_129 = arith.constant 0 : i32
      %dma_wait3A_130 = tpu.memref_slice %arg2[%dma_wait3A_128, %dma_wait3A_129] : memref<10000x128xf32, #tpu.memory_space<hbm>> -> memref<10000x128xf32, #tpu.memory_space<hbm>>
      tpu.wait_indirect_dma semaphore(%arg13 : memref<!tpu.dma_semaphore, #tpu.memory_space<semaphore_mem>>) src(%dma_wait3A_130 : memref<10000x128xf32, #tpu.memory_space<hbm>>) dst(%dma_wait3A_124 : memref<61x128xf32, #tpu.memory_space<vmem>>)
      %parallel_loop3A = arith.constant 0 : i32
      %parallel_loop3A_131 = arith.constant 125 : i32
      %parallel_loop3A_132 = arith.constant 1 : i32
      scf.for %parallel_loop3A_265 = %parallel_loop3A to %parallel_loop3A_131 step %parallel_loop3A_132  : i32 {
        %parallel_loop3A_266 = vector.broadcast %parallel_loop3A_265 : i32 to vector<16xi32>
        %parallel_loop3A_267 = tpu.vector_load_idx %arg5[%broadcast_in_dim3A_80, %parallel_loop3A_266] : memref<3x125xi32, #tpu.memory_space<vmem>>[vector<16xi32>, vector<16xi32>], vector<16xi32>,
        %parallel_loop3A_268 = vector.bitcast %parallel_loop3A_267 : vector<16xi32> to vector<16xf32>
        %parallel_loop3A_269 = arith.index_cast %parallel_loop3A_265 : i32 to index
        %parallel_loop3A_270 = arith.constant 0 : index
        %parallel_loop3A_271 = tpu.vector_load %arg9[%parallel_loop3A_269, %parallel_loop3A_270] {strides = array<i32>} : memref<125x128xf32, #tpu.memory_space<vmem>>, vector<16xf32>,
        %parallel_loop3A_272 = arith.mulf %parallel_loop3A_271, %parallel_loop3A_268 : vector<16xf32>
        %parallel_loop3A_273 = arith.index_cast %parallel_loop3A_265 : i32 to index
        %parallel_loop3A_274 = arith.constant 0 : index
        %parallel_loop3A_275 = tpu.vector_load %arg9[%parallel_loop3A_273, %parallel_loop3A_274] {strides = array<i32>} : memref<125x128xf32, #tpu.memory_space<vmem>>, vector<16xf32>,
        tpu.vector_store %arg9[%parallel_loop3A_273, %parallel_loop3A_274], %parallel_loop3A_272 {strides = array<i32>} : memref<125x128xf32, #tpu.memory_space<vmem>>, vector<16xf32>,
        %parallel_loop3A_276 = arith.index_cast %parallel_loop3A_265 : i32 to index
        %parallel_loop3A_277 = arith.constant 16 : index
        %parallel_loop3A_278 = tpu.vector_load %arg9[%parallel_loop3A_276, %parallel_loop3A_277] {strides = array<i32>} : memref<125x128xf32, #tpu.memory_space<vmem>>, vector<16xf32>,
        %parallel_loop3A_279 = arith.mulf %parallel_loop3A_278, %parallel_loop3A_268 : vector<16xf32>
        %parallel_loop3A_280 = arith.index_cast %parallel_loop3A_265 : i32 to index
        %parallel_loop3A_281 = arith.constant 16 : index
        %parallel_loop3A_282 = tpu.vector_load %arg9[%parallel_loop3A_280, %parallel_loop3A_281] {strides = array<i32>} : memref<125x128xf32, #tpu.memory_space<vmem>>, vector<16xf32>,
        tpu.vector_store %arg9[%parallel_loop3A_280, %parallel_loop3A_281], %parallel_loop3A_279 {strides = array<i32>} : memref<125x128xf32, #tpu.memory_space<vmem>>, vector<16xf32>,
        %parallel_loop3A_283 = arith.index_cast %parallel_loop3A_265 : i32 to index
        %parallel_loop3A_284 = arith.constant 32 : index
        %parallel_loop3A_285 = tpu.vector_load %arg9[%parallel_loop3A_283, %parallel_loop3A_284] {strides = array<i32>} : memref<125x128xf32, #tpu.memory_space<vmem>>, vector<16xf32>,
        %parallel_loop3A_286 = arith.mulf %parallel_loop3A_285, %parallel_loop3A_268 : vector<16xf32>
        %parallel_loop3A_287 = arith.index_cast %parallel_loop3A_265 : i32 to index
        %parallel_loop3A_288 = arith.constant 32 : index
        %parallel_loop3A_289 = tpu.vector_load %arg9[%parallel_loop3A_287, %parallel_loop3A_288] {strides = array<i32>} : memref<125x128xf32, #tpu.memory_space<vmem>>, vector<16xf32>,
        tpu.vector_store %arg9[%parallel_loop3A_287, %parallel_loop3A_288], %parallel_loop3A_286 {strides = array<i32>} : memref<125x128xf32, #tpu.memory_space<vmem>>, vector<16xf32>,
        %parallel_loop3A_290 = arith.index_cast %parallel_loop3A_265 : i32 to index
        %parallel_loop3A_291 = arith.constant 48 : index
        %parallel_loop3A_292 = tpu.vector_load %arg9[%parallel_loop3A_290, %parallel_loop3A_291] {strides = array<i32>} : memref<125x128xf32, #tpu.memory_space<vmem>>, vector<16xf32>,
        %parallel_loop3A_293 = arith.mulf %parallel_loop3A_292, %parallel_loop3A_268 : vector<16xf32>
        %parallel_loop3A_294 = arith.index_cast %parallel_loop3A_265 : i32 to index
        %parallel_loop3A_295 = arith.constant 48 : index
        %parallel_loop3A_296 = tpu.vector_load %arg9[%parallel_loop3A_294, %parallel_loop3A_295] {strides = array<i32>} : memref<125x128xf32, #tpu.memory_space<vmem>>, vector<16xf32>,
        tpu.vector_store %arg9[%parallel_loop3A_294, %parallel_loop3A_295], %parallel_loop3A_293 {strides = array<i32>} : memref<125x128xf32, #tpu.memory_space<vmem>>, vector<16xf32>,
        %parallel_loop3A_297 = arith.index_cast %parallel_loop3A_265 : i32 to index
        %parallel_loop3A_298 = arith.constant 64 : index
        %parallel_loop3A_299 = tpu.vector_load %arg9[%parallel_loop3A_297, %parallel_loop3A_298] {strides = array<i32>} : memref<125x128xf32, #tpu.memory_space<vmem>>, vector<16xf32>,
        %parallel_loop3A_300 = arith.mulf %parallel_loop3A_299, %parallel_loop3A_268 : vector<16xf32>
        %parallel_loop3A_301 = arith.index_cast %parallel_loop3A_265 : i32 to index
        %parallel_loop3A_302 = arith.constant 64 : index
        %parallel_loop3A_303 = tpu.vector_load %arg9[%parallel_loop3A_301, %parallel_loop3A_302] {strides = array<i32>} : memref<125x128xf32, #tpu.memory_space<vmem>>, vector<16xf32>,
        tpu.vector_store %arg9[%parallel_loop3A_301, %parallel_loop3A_302], %parallel_loop3A_300 {strides = array<i32>} : memref<125x128xf32, #tpu.memory_space<vmem>>, vector<16xf32>,
        %parallel_loop3A_304 = arith.index_cast %parallel_loop3A_265 : i32 to index
        %parallel_loop3A_305 = arith.constant 80 : index
        %parallel_loop3A_306 = tpu.vector_load %arg9[%parallel_loop3A_304, %parallel_loop3A_305] {strides = array<i32>} : memref<125x128xf32, #tpu.memory_space<vmem>>, vector<16xf32>,
        %parallel_loop3A_307 = arith.mulf %parallel_loop3A_306, %parallel_loop3A_268 : vector<16xf32>
        %parallel_loop3A_308 = arith.index_cast %parallel_loop3A_265 : i32 to index
        %parallel_loop3A_309 = arith.constant 80 : index
        %parallel_loop3A_310 = tpu.vector_load %arg9[%parallel_loop3A_308, %parallel_loop3A_309] {strides = array<i32>} : memref<125x128xf32, #tpu.memory_space<vmem>>, vector<16xf32>,
        tpu.vector_store %arg9[%parallel_loop3A_308, %parallel_loop3A_309], %parallel_loop3A_307 {strides = array<i32>} : memref<125x128xf32, #tpu.memory_space<vmem>>, vector<16xf32>,
        %parallel_loop3A_311 = arith.index_cast %parallel_loop3A_265 : i32 to index
        %parallel_loop3A_312 = arith.constant 96 : index
        %parallel_loop3A_313 = tpu.vector_load %arg9[%parallel_loop3A_311, %parallel_loop3A_312] {strides = array<i32>} : memref<125x128xf32, #tpu.memory_space<vmem>>, vector<16xf32>,
        %parallel_loop3A_314 = arith.mulf %parallel_loop3A_313, %parallel_loop3A_268 : vector<16xf32>
        %parallel_loop3A_315 = arith.index_cast %parallel_loop3A_265 : i32 to index
        %parallel_loop3A_316 = arith.constant 96 : index
        %parallel_loop3A_317 = tpu.vector_load %arg9[%parallel_loop3A_315, %parallel_loop3A_316] {strides = array<i32>} : memref<125x128xf32, #tpu.memory_space<vmem>>, vector<16xf32>,
        tpu.vector_store %arg9[%parallel_loop3A_315, %parallel_loop3A_316], %parallel_loop3A_314 {strides = array<i32>} : memref<125x128xf32, #tpu.memory_space<vmem>>, vector<16xf32>,
        %parallel_loop3A_318 = arith.index_cast %parallel_loop3A_265 : i32 to index
        %parallel_loop3A_319 = arith.constant 112 : index
        %parallel_loop3A_320 = tpu.vector_load %arg9[%parallel_loop3A_318, %parallel_loop3A_319] {strides = array<i32>} : memref<125x128xf32, #tpu.memory_space<vmem>>, vector<16xf32>,
        %parallel_loop3A_321 = arith.mulf %parallel_loop3A_320, %parallel_loop3A_268 : vector<16xf32>
        %parallel_loop3A_322 = arith.index_cast %parallel_loop3A_265 : i32 to index
        %parallel_loop3A_323 = arith.constant 112 : index
        %parallel_loop3A_324 = tpu.vector_load %arg9[%parallel_loop3A_322, %parallel_loop3A_323] {strides = array<i32>} : memref<125x128xf32, #tpu.memory_space<vmem>>, vector<16xf32>,
        tpu.vector_store %arg9[%parallel_loop3A_322, %parallel_loop3A_323], %parallel_loop3A_321 {strides = array<i32>} : memref<125x128xf32, #tpu.memory_space<vmem>>, vector<16xf32>,
      } {sc.loop_unroll_factor = 2 : i64, sc.parallel_access}
      %run_scoped3A_133 = arith.constant 1 : i32
      "tpu.region"() ({
        %run_scoped3A_265 = tpu.sem_alloc : memref<!tpu.dma_semaphore, #tpu.memory_space<semaphore_mem>>
        %dma_start3A_266 = arith.constant 0 : i32
        %dma_start3A_267 = tpu.memref_slice %arg5[%run_scoped3A_133, %dma_start3A_266] : memref<3x125xi32, #tpu.memory_space<vmem>> -> memref<1x125xi32, #tpu.memory_space<vmem>>
        %dma_start3A_268 = tpu.memref_squeeze %dma_start3A_267 : memref<1x125xi32, #tpu.memory_space<vmem>> -> memref<125xi32, #tpu.memory_space<vmem>>
        %dma_start3A_269 = arith.constant 0 : i32
        %dma_start3A_270 = arith.constant 0 : i32
        %dma_start3A_271 = tpu.memref_slice %arg12[%dma_start3A_269, %dma_start3A_270] : memref<10000x128xf32, #tpu.memory_space<vmem_shared>> -> memref<10000x128xf32, #tpu.memory_space<vmem_shared>>
        tpu.enqueue_indirect_dma source(%arg9 : memref<125x128xf32, #tpu.memory_space<vmem>>) target(%dma_start3A_271 : memref<10000x128xf32, #tpu.memory_space<vmem_shared>>) offsets(%dma_start3A_268 : memref<125xi32, #tpu.memory_space<vmem>>) semaphore(%run_scoped3A_265 : memref<!tpu.dma_semaphore, #tpu.memory_space<semaphore_mem>>) {add = true}
        %dma_wait3A_272 = arith.constant 0 : i32
        %dma_wait3A_273 = tpu.memref_slice %arg5[%run_scoped3A_133, %dma_wait3A_272] : memref<3x125xi32, #tpu.memory_space<vmem>> -> memref<1x125xi32, #tpu.memory_space<vmem>>
        %dma_wait3A_274 = tpu.memref_squeeze %dma_wait3A_273 : memref<1x125xi32, #tpu.memory_space<vmem>> -> memref<125xi32, #tpu.memory_space<vmem>>
        %dma_wait3A_275 = arith.constant 0 : i32
        %dma_wait3A_276 = arith.constant 0 : i32
        %dma_wait3A_277 = tpu.memref_slice %arg12[%dma_wait3A_275, %dma_wait3A_276] : memref<10000x128xf32, #tpu.memory_space<vmem_shared>> -> memref<10000x128xf32, #tpu.memory_space<vmem_shared>>
        tpu.wait_indirect_dma semaphore(%run_scoped3A_265 : memref<!tpu.dma_semaphore, #tpu.memory_space<semaphore_mem>>) src(%arg9 : memref<125x128xf32, #tpu.memory_space<vmem>>) dst(%dma_wait3A_277 : memref<10000x128xf32, #tpu.memory_space<vmem_shared>>)
        tpu.yield
      }) : () -> ()
      %add3A_134 = arith.constant 2 : i32
      %add3A_135 = arith.addi %add3A_111, %add3A_134 : i32
      %lt3A = arith.constant 80 : i32
      %lt3A_136 = arith.cmpi slt, %add3A_135, %lt3A : i32
      %convert_element_type3A = arith.extui %lt3A_136 : i1 to i32
      %cond3A = arith.constant 0 : i32
      %cond3A_137 = arith.cmpi ne, %convert_element_type3A, %cond3A : i32
      scf.if %cond3A_137 {
        %add3A_265 = arith.constant 2 : i32
        %add3A_266 = arith.addi %add3A_111, %add3A_265 : i32
        %dma_wait3A_267 = arith.constant 0 : i32
        %dma_wait3A_268 = arith.constant 0 : i32
        %dma_wait3A_269 = tpu.memref_slice %arg3[%add3A, %add3A_266, %dma_wait3A_267, %dma_wait3A_268] : memref<32x80x3x125xi32, #tpu.memory_space<hbm>> -> memref<1x1x3x125xi32, #tpu.memory_space<hbm>>
        %dma_wait3A_270 = tpu.memref_squeeze %dma_wait3A_269 : memref<1x1x3x125xi32, #tpu.memory_space<hbm>> -> memref<3x125xi32, #tpu.memory_space<hbm>>
        %dma_wait3A_271 = arith.constant 0 : i32
        %dma_wait3A_272 = arith.constant 0 : i32
        %dma_wait3A_273 = tpu.memref_slice %arg3[%add3A, %add3A_266, %dma_wait3A_271, %dma_wait3A_272] : memref<32x80x3x125xi32, #tpu.memory_space<hbm>> -> memref<1x1x3x125xi32, #tpu.memory_space<hbm>>
        %dma_wait3A_274 = tpu.memref_squeeze %dma_wait3A_273 : memref<1x1x3x125xi32, #tpu.memory_space<hbm>> -> memref<3x125xi32, #tpu.memory_space<hbm>>
        tpu.wait_dma2 semaphore(%arg17 : memref<!tpu.dma_semaphore, #tpu.memory_space<semaphore_mem>>) src(%dma_wait3A_274 : memref<3x125xi32, #tpu.memory_space<hbm>>) dst(%arg7 : memref<3x125xi32, #tpu.memory_space<vmem>>)
        %dma_start3A_275 = arith.constant 0 : i32
        %dma_start3A_276 = arith.constant 0 : i32
        %dma_start3A_277 = arith.constant 0 : i32
        %dma_start3A_278 = tpu.memref_slice %arg9[%dma_start3A_276, %dma_start3A_277] : memref<125x128xf32, #tpu.memory_space<vmem>> -> memref<64x128xf32, #tpu.memory_space<vmem>>
        %dma_start3A_279 = arith.constant 0 : i32
        %dma_start3A_280 = tpu.memref_slice %arg7[%dma_start3A_275, %dma_start3A_279] : memref<3x125xi32, #tpu.memory_space<vmem>> -> memref<1x64xi32, #tpu.memory_space<vmem>>
        %dma_start3A_281 = tpu.memref_squeeze %dma_start3A_280 : memref<1x64xi32, #tpu.memory_space<vmem>> -> memref<64xi32, #tpu.memory_space<vmem>>
        %dma_start3A_282 = arith.constant 0 : i32
        %dma_start3A_283 = arith.constant 0 : i32
        %dma_start3A_284 = tpu.memref_slice %arg2[%dma_start3A_282, %dma_start3A_283] : memref<10000x128xf32, #tpu.memory_space<hbm>> -> memref<10000x128xf32, #tpu.memory_space<hbm>>
        tpu.enqueue_indirect_dma source(%dma_start3A_284 : memref<10000x128xf32, #tpu.memory_space<hbm>>) target(%dma_start3A_278 : memref<64x128xf32, #tpu.memory_space<vmem>>) offsets(%dma_start3A_281 : memref<64xi32, #tpu.memory_space<vmem>>) semaphore(%arg13 : memref<!tpu.dma_semaphore, #tpu.memory_space<semaphore_mem>>)
        %dma_start3A_285 = arith.constant 0 : i32
        %dma_start3A_286 = arith.constant 64 : i32
        %dma_start3A_287 = arith.constant 0 : i32
        %dma_start3A_288 = tpu.memref_slice %arg9[%dma_start3A_286, %dma_start3A_287] : memref<125x128xf32, #tpu.memory_space<vmem>> -> memref<61x128xf32, #tpu.memory_space<vmem>>
        %dma_start3A_289 = arith.constant 64 : i32
        %dma_start3A_290 = tpu.memref_slice %arg7[%dma_start3A_285, %dma_start3A_289] : memref<3x125xi32, #tpu.memory_space<vmem>> -> memref<1x61xi32, #tpu.memory_space<vmem>>
        %dma_start3A_291 = tpu.memref_squeeze %dma_start3A_290 : memref<1x61xi32, #tpu.memory_space<vmem>> -> memref<61xi32, #tpu.memory_space<vmem>>
        %dma_start3A_292 = arith.constant 0 : i32
        %dma_start3A_293 = arith.constant 0 : i32
        %dma_start3A_294 = tpu.memref_slice %arg2[%dma_start3A_292, %dma_start3A_293] : memref<10000x128xf32, #tpu.memory_space<hbm>> -> memref<10000x128xf32, #tpu.memory_space<hbm>>
        tpu.enqueue_indirect_dma source(%dma_start3A_294 : memref<10000x128xf32, #tpu.memory_space<hbm>>) target(%dma_start3A_288 : memref<61x128xf32, #tpu.memory_space<vmem>>) offsets(%dma_start3A_291 : memref<61xi32, #tpu.memory_space<vmem>>) semaphore(%arg13 : memref<!tpu.dma_semaphore, #tpu.memory_space<semaphore_mem>>)
      } else {
      }
      %add3A_138 = arith.constant 4 : i32
      %add3A_139 = arith.addi %add3A_111, %add3A_138 : i32
      %lt3A_140 = arith.constant 80 : i32
      %lt3A_141 = arith.cmpi slt, %add3A_139, %lt3A_140 : i32
      %convert_element_type3A_142 = arith.extui %lt3A_141 : i1 to i32
      %cond3A_143 = arith.constant 0 : i32
      %cond3A_144 = arith.cmpi ne, %convert_element_type3A_142, %cond3A_143 : i32
      scf.if %cond3A_144 {
        %add3A_265 = arith.constant 4 : i32
        %add3A_266 = arith.addi %add3A_111, %add3A_265 : i32
        %dma_start3A_267 = arith.constant 0 : i32
        %dma_start3A_268 = arith.constant 0 : i32
        %dma_start3A_269 = tpu.memref_slice %arg3[%add3A, %add3A_266, %dma_start3A_267, %dma_start3A_268] : memref<32x80x3x125xi32, #tpu.memory_space<hbm>> -> memref<1x1x3x125xi32, #tpu.memory_space<hbm>>
        %dma_start3A_270 = tpu.memref_squeeze %dma_start3A_269 : memref<1x1x3x125xi32, #tpu.memory_space<hbm>> -> memref<3x125xi32, #tpu.memory_space<hbm>>
        %dma_start3A_271 = arith.constant 0 : i32
        %dma_start3A_272 = arith.constant 0 : i32
        %dma_start3A_273 = tpu.memref_slice %arg3[%add3A, %add3A_266, %dma_start3A_271, %dma_start3A_272] : memref<32x80x3x125xi32, #tpu.memory_space<hbm>> -> memref<1x1x3x125xi32, #tpu.memory_space<hbm>>
        %dma_start3A_274 = tpu.memref_squeeze %dma_start3A_273 : memref<1x1x3x125xi32, #tpu.memory_space<hbm>> -> memref<3x125xi32, #tpu.memory_space<hbm>>
        tpu.enqueue_dma source(%dma_start3A_274 : memref<3x125xi32, #tpu.memory_space<hbm>>) target(%arg5 : memref<3x125xi32, #tpu.memory_space<vmem>>) target_semaphore(%arg15 : memref<!tpu.dma_semaphore, #tpu.memory_space<semaphore_mem>>)
      } else {
      }
      %add3A_145 = arith.constant 1 : i32
      %add3A_146 = arith.addi %add3A_109, %add3A_145 : i32
      %dma_wait3A_147 = arith.constant 0 : i32
      %dma_wait3A_148 = arith.constant 0 : i32
      %dma_wait3A_149 = arith.constant 0 : i32
      %dma_wait3A_150 = tpu.memref_slice %arg10[%dma_wait3A_148, %dma_wait3A_149] : memref<125x128xf32, #tpu.memory_space<vmem>> -> memref<64x128xf32, #tpu.memory_space<vmem>>
      %dma_wait3A_151 = arith.constant 0 : i32
      %dma_wait3A_152 = tpu.memref_slice %arg6[%dma_wait3A_147, %dma_wait3A_151] : memref<3x125xi32, #tpu.memory_space<vmem>> -> memref<1x64xi32, #tpu.memory_space<vmem>>
      %dma_wait3A_153 = tpu.memref_squeeze %dma_wait3A_152 : memref<1x64xi32, #tpu.memory_space<vmem>> -> memref<64xi32, #tpu.memory_space<vmem>>
      %dma_wait3A_154 = arith.constant 0 : i32
      %dma_wait3A_155 = arith.constant 0 : i32
      %dma_wait3A_156 = tpu.memref_slice %arg2[%dma_wait3A_154, %dma_wait3A_155] : memref<10000x128xf32, #tpu.memory_space<hbm>> -> memref<10000x128xf32, #tpu.memory_space<hbm>>
      tpu.wait_indirect_dma semaphore(%arg14 : memref<!tpu.dma_semaphore, #tpu.memory_space<semaphore_mem>>) src(%dma_wait3A_156 : memref<10000x128xf32, #tpu.memory_space<hbm>>) dst(%dma_wait3A_150 : memref<64x128xf32, #tpu.memory_space<vmem>>)
      %dma_wait3A_157 = arith.constant 0 : i32
      %dma_wait3A_158 = arith.constant 64 : i32
      %dma_wait3A_159 = arith.constant 0 : i32
      %dma_wait3A_160 = tpu.memref_slice %arg10[%dma_wait3A_158, %dma_wait3A_159] : memref<125x128xf32, #tpu.memory_space<vmem>> -> memref<61x128xf32, #tpu.memory_space<vmem>>
      %dma_wait3A_161 = arith.constant 64 : i32
      %dma_wait3A_162 = tpu.memref_slice %arg6[%dma_wait3A_157, %dma_wait3A_161] : memref<3x125xi32, #tpu.memory_space<vmem>> -> memref<1x61xi32, #tpu.memory_space<vmem>>
      %dma_wait3A_163 = tpu.memref_squeeze %dma_wait3A_162 : memref<1x61xi32, #tpu.memory_space<vmem>> -> memref<61xi32, #tpu.memory_space<vmem>>
      %dma_wait3A_164 = arith.constant 0 : i32
      %dma_wait3A_165 = arith.constant 0 : i32
      %dma_wait3A_166 = tpu.memref_slice %arg2[%dma_wait3A_164, %dma_wait3A_165] : memref<10000x128xf32, #tpu.memory_space<hbm>> -> memref<10000x128xf32, #tpu.memory_space<hbm>>
      tpu.wait_indirect_dma semaphore(%arg14 : memref<!tpu.dma_semaphore, #tpu.memory_space<semaphore_mem>>) src(%dma_wait3A_166 : memref<10000x128xf32, #tpu.memory_space<hbm>>) dst(%dma_wait3A_160 : memref<61x128xf32, #tpu.memory_space<vmem>>)
      %parallel_loop3A_167 = arith.constant 0 : i32
      %parallel_loop3A_168 = arith.constant 125 : i32
      %parallel_loop3A_169 = arith.constant 1 : i32
      scf.for %parallel_loop3A_265 = %parallel_loop3A_167 to %parallel_loop3A_168 step %parallel_loop3A_169  : i32 {
        %parallel_loop3A_266 = vector.broadcast %parallel_loop3A_265 : i32 to vector<16xi32>
        %parallel_loop3A_267 = tpu.vector_load_idx %arg6[%broadcast_in_dim3A_80, %parallel_loop3A_266] : memref<3x125xi32, #tpu.memory_space<vmem>>[vector<16xi32>, vector<16xi32>], vector<16xi32>,
        %parallel_loop3A_268 = vector.bitcast %parallel_loop3A_267 : vector<16xi32> to vector<16xf32>
        %parallel_loop3A_269 = arith.index_cast %parallel_loop3A_265 : i32 to index
        %parallel_loop3A_270 = arith.constant 0 : index
        %parallel_loop3A_271 = tpu.vector_load %arg10[%parallel_loop3A_269, %parallel_loop3A_270] {strides = array<i32>} : memref<125x128xf32, #tpu.memory_space<vmem>>, vector<16xf32>,
        %parallel_loop3A_272 = arith.mulf %parallel_loop3A_271, %parallel_loop3A_268 : vector<16xf32>
        %parallel_loop3A_273 = arith.index_cast %parallel_loop3A_265 : i32 to index
        %parallel_loop3A_274 = arith.constant 0 : index
        %parallel_loop3A_275 = tpu.vector_load %arg10[%parallel_loop3A_273, %parallel_loop3A_274] {strides = array<i32>} : memref<125x128xf32, #tpu.memory_space<vmem>>, vector<16xf32>,
        tpu.vector_store %arg10[%parallel_loop3A_273, %parallel_loop3A_274], %parallel_loop3A_272 {strides = array<i32>} : memref<125x128xf32, #tpu.memory_space<vmem>>, vector<16xf32>,
        %parallel_loop3A_276 = arith.index_cast %parallel_loop3A_265 : i32 to index
        %parallel_loop3A_277 = arith.constant 16 : index
        %parallel_loop3A_278 = tpu.vector_load %arg10[%parallel_loop3A_276, %parallel_loop3A_277] {strides = array<i32>} : memref<125x128xf32, #tpu.memory_space<vmem>>, vector<16xf32>,
        %parallel_loop3A_279 = arith.mulf %parallel_loop3A_278, %parallel_loop3A_268 : vector<16xf32>
        %parallel_loop3A_280 = arith.index_cast %parallel_loop3A_265 : i32 to index
        %parallel_loop3A_281 = arith.constant 16 : index
        %parallel_loop3A_282 = tpu.vector_load %arg10[%parallel_loop3A_280, %parallel_loop3A_281] {strides = array<i32>} : memref<125x128xf32, #tpu.memory_space<vmem>>, vector<16xf32>,
        tpu.vector_store %arg10[%parallel_loop3A_280, %parallel_loop3A_281], %parallel_loop3A_279 {strides = array<i32>} : memref<125x128xf32, #tpu.memory_space<vmem>>, vector<16xf32>,
        %parallel_loop3A_283 = arith.index_cast %parallel_loop3A_265 : i32 to index
        %parallel_loop3A_284 = arith.constant 32 : index
        %parallel_loop3A_285 = tpu.vector_load %arg10[%parallel_loop3A_283, %parallel_loop3A_284] {strides = array<i32>} : memref<125x128xf32, #tpu.memory_space<vmem>>, vector<16xf32>,
        %parallel_loop3A_286 = arith.mulf %parallel_loop3A_285, %parallel_loop3A_268 : vector<16xf32>
        %parallel_loop3A_287 = arith.index_cast %parallel_loop3A_265 : i32 to index
        %parallel_loop3A_288 = arith.constant 32 : index
        %parallel_loop3A_289 = tpu.vector_load %arg10[%parallel_loop3A_287, %parallel_loop3A_288] {strides = array<i32>} : memref<125x128xf32, #tpu.memory_space<vmem>>, vector<16xf32>,
        tpu.vector_store %arg10[%parallel_loop3A_287, %parallel_loop3A_288], %parallel_loop3A_286 {strides = array<i32>} : memref<125x128xf32, #tpu.memory_space<vmem>>, vector<16xf32>,
        %parallel_loop3A_290 = arith.index_cast %parallel_loop3A_265 : i32 to index
        %parallel_loop3A_291 = arith.constant 48 : index
        %parallel_loop3A_292 = tpu.vector_load %arg10[%parallel_loop3A_290, %parallel_loop3A_291] {strides = array<i32>} : memref<125x128xf32, #tpu.memory_space<vmem>>, vector<16xf32>,
        %parallel_loop3A_293 = arith.mulf %parallel_loop3A_292, %parallel_loop3A_268 : vector<16xf32>
        %parallel_loop3A_294 = arith.index_cast %parallel_loop3A_265 : i32 to index
        %parallel_loop3A_295 = arith.constant 48 : index
        %parallel_loop3A_296 = tpu.vector_load %arg10[%parallel_loop3A_294, %parallel_loop3A_295] {strides = array<i32>} : memref<125x128xf32, #tpu.memory_space<vmem>>, vector<16xf32>,
        tpu.vector_store %arg10[%parallel_loop3A_294, %parallel_loop3A_295], %parallel_loop3A_293 {strides = array<i32>} : memref<125x128xf32, #tpu.memory_space<vmem>>, vector<16xf32>,
        %parallel_loop3A_297 = arith.index_cast %parallel_loop3A_265 : i32 to index
        %parallel_loop3A_298 = arith.constant 64 : index
        %parallel_loop3A_299 = tpu.vector_load %arg10[%parallel_loop3A_297, %parallel_loop3A_298] {strides = array<i32>} : memref<125x128xf32, #tpu.memory_space<vmem>>, vector<16xf32>,
        %parallel_loop3A_300 = arith.mulf %parallel_loop3A_299, %parallel_loop3A_268 : vector<16xf32>
        %parallel_loop3A_301 = arith.index_cast %parallel_loop3A_265 : i32 to index
        %parallel_loop3A_302 = arith.constant 64 : index
        %parallel_loop3A_303 = tpu.vector_load %arg10[%parallel_loop3A_301, %parallel_loop3A_302] {strides = array<i32>} : memref<125x128xf32, #tpu.memory_space<vmem>>, vector<16xf32>,
        tpu.vector_store %arg10[%parallel_loop3A_301, %parallel_loop3A_302], %parallel_loop3A_300 {strides = array<i32>} : memref<125x128xf32, #tpu.memory_space<vmem>>, vector<16xf32>,
        %parallel_loop3A_304 = arith.index_cast %parallel_loop3A_265 : i32 to index
        %parallel_loop3A_305 = arith.constant 80 : index
        %parallel_loop3A_306 = tpu.vector_load %arg10[%parallel_loop3A_304, %parallel_loop3A_305] {strides = array<i32>} : memref<125x128xf32, #tpu.memory_space<vmem>>, vector<16xf32>,
        %parallel_loop3A_307 = arith.mulf %parallel_loop3A_306, %parallel_loop3A_268 : vector<16xf32>
        %parallel_loop3A_308 = arith.index_cast %parallel_loop3A_265 : i32 to index
        %parallel_loop3A_309 = arith.constant 80 : index
        %parallel_loop3A_310 = tpu.vector_load %arg10[%parallel_loop3A_308, %parallel_loop3A_309] {strides = array<i32>} : memref<125x128xf32, #tpu.memory_space<vmem>>, vector<16xf32>,
        tpu.vector_store %arg10[%parallel_loop3A_308, %parallel_loop3A_309], %parallel_loop3A_307 {strides = array<i32>} : memref<125x128xf32, #tpu.memory_space<vmem>>, vector<16xf32>,
        %parallel_loop3A_311 = arith.index_cast %parallel_loop3A_265 : i32 to index
        %parallel_loop3A_312 = arith.constant 96 : index
        %parallel_loop3A_313 = tpu.vector_load %arg10[%parallel_loop3A_311, %parallel_loop3A_312] {strides = array<i32>} : memref<125x128xf32, #tpu.memory_space<vmem>>, vector<16xf32>,
        %parallel_loop3A_314 = arith.mulf %parallel_loop3A_313, %parallel_loop3A_268 : vector<16xf32>
        %parallel_loop3A_315 = arith.index_cast %parallel_loop3A_265 : i32 to index
        %parallel_loop3A_316 = arith.constant 96 : index
        %parallel_loop3A_317 = tpu.vector_load %arg10[%parallel_loop3A_315, %parallel_loop3A_316] {strides = array<i32>} : memref<125x128xf32, #tpu.memory_space<vmem>>, vector<16xf32>,
        tpu.vector_store %arg10[%parallel_loop3A_315, %parallel_loop3A_316], %parallel_loop3A_314 {strides = array<i32>} : memref<125x128xf32, #tpu.memory_space<vmem>>, vector<16xf32>,
        %parallel_loop3A_318 = arith.index_cast %parallel_loop3A_265 : i32 to index
        %parallel_loop3A_319 = arith.constant 112 : index
        %parallel_loop3A_320 = tpu.vector_load %arg10[%parallel_loop3A_318, %parallel_loop3A_319] {strides = array<i32>} : memref<125x128xf32, #tpu.memory_space<vmem>>, vector<16xf32>,
        %parallel_loop3A_321 = arith.mulf %parallel_loop3A_320, %parallel_loop3A_268 : vector<16xf32>
        %parallel_loop3A_322 = arith.index_cast %parallel_loop3A_265 : i32 to index
        %parallel_loop3A_323 = arith.constant 112 : index
        %parallel_loop3A_324 = tpu.vector_load %arg10[%parallel_loop3A_322, %parallel_loop3A_323] {strides = array<i32>} : memref<125x128xf32, #tpu.memory_space<vmem>>, vector<16xf32>,
        tpu.vector_store %arg10[%parallel_loop3A_322, %parallel_loop3A_323], %parallel_loop3A_321 {strides = array<i32>} : memref<125x128xf32, #tpu.memory_space<vmem>>, vector<16xf32>,
      } {sc.loop_unroll_factor = 2 : i64, sc.parallel_access}
      %run_scoped3A_170 = arith.constant 1 : i32
      "tpu.region"() ({
        %run_scoped3A_265 = tpu.sem_alloc : memref<!tpu.dma_semaphore, #tpu.memory_space<semaphore_mem>>
        %dma_start3A_266 = arith.constant 0 : i32
        %dma_start3A_267 = tpu.memref_slice %arg6[%run_scoped3A_170, %dma_start3A_266] : memref<3x125xi32, #tpu.memory_space<vmem>> -> memref<1x125xi32, #tpu.memory_space<vmem>>
        %dma_start3A_268 = tpu.memref_squeeze %dma_start3A_267 : memref<1x125xi32, #tpu.memory_space<vmem>> -> memref<125xi32, #tpu.memory_space<vmem>>
        %dma_start3A_269 = arith.constant 0 : i32
        %dma_start3A_270 = arith.constant 0 : i32
        %dma_start3A_271 = tpu.memref_slice %arg12[%dma_start3A_269, %dma_start3A_270] : memref<10000x128xf32, #tpu.memory_space<vmem_shared>> -> memref<10000x128xf32, #tpu.memory_space<vmem_shared>>
        tpu.enqueue_indirect_dma source(%arg10 : memref<125x128xf32, #tpu.memory_space<vmem>>) target(%dma_start3A_271 : memref<10000x128xf32, #tpu.memory_space<vmem_shared>>) offsets(%dma_start3A_268 : memref<125xi32, #tpu.memory_space<vmem>>) semaphore(%run_scoped3A_265 : memref<!tpu.dma_semaphore, #tpu.memory_space<semaphore_mem>>) {add = true}
        %dma_wait3A_272 = arith.constant 0 : i32
        %dma_wait3A_273 = tpu.memref_slice %arg6[%run_scoped3A_170, %dma_wait3A_272] : memref<3x125xi32, #tpu.memory_space<vmem>> -> memref<1x125xi32, #tpu.memory_space<vmem>>
        %dma_wait3A_274 = tpu.memref_squeeze %dma_wait3A_273 : memref<1x125xi32, #tpu.memory_space<vmem>> -> memref<125xi32, #tpu.memory_space<vmem>>
        %dma_wait3A_275 = arith.constant 0 : i32
        %dma_wait3A_276 = arith.constant 0 : i32
        %dma_wait3A_277 = tpu.memref_slice %arg12[%dma_wait3A_275, %dma_wait3A_276] : memref<10000x128xf32, #tpu.memory_space<vmem_shared>> -> memref<10000x128xf32, #tpu.memory_space<vmem_shared>>
        tpu.wait_indirect_dma semaphore(%run_scoped3A_265 : memref<!tpu.dma_semaphore, #tpu.memory_space<semaphore_mem>>) src(%arg10 : memref<125x128xf32, #tpu.memory_space<vmem>>) dst(%dma_wait3A_277 : memref<10000x128xf32, #tpu.memory_space<vmem_shared>>)
        tpu.yield
      }) : () -> ()
      %add3A_171 = arith.constant 2 : i32
      %add3A_172 = arith.addi %add3A_146, %add3A_171 : i32
      %lt3A_173 = arith.constant 80 : i32
      %lt3A_174 = arith.cmpi slt, %add3A_172, %lt3A_173 : i32
      %convert_element_type3A_175 = arith.extui %lt3A_174 : i1 to i32
      %cond3A_176 = arith.constant 0 : i32
      %cond3A_177 = arith.cmpi ne, %convert_element_type3A_175, %cond3A_176 : i32
      scf.if %cond3A_177 {
        %add3A_265 = arith.constant 2 : i32
        %add3A_266 = arith.addi %add3A_146, %add3A_265 : i32
        %dma_wait3A_267 = arith.constant 0 : i32
        %dma_wait3A_268 = arith.constant 0 : i32
        %dma_wait3A_269 = tpu.memref_slice %arg3[%add3A, %add3A_266, %dma_wait3A_267, %dma_wait3A_268] : memref<32x80x3x125xi32, #tpu.memory_space<hbm>> -> memref<1x1x3x125xi32, #tpu.memory_space<hbm>>
        %dma_wait3A_270 = tpu.memref_squeeze %dma_wait3A_269 : memref<1x1x3x125xi32, #tpu.memory_space<hbm>> -> memref<3x125xi32, #tpu.memory_space<hbm>>
        %dma_wait3A_271 = arith.constant 0 : i32
        %dma_wait3A_272 = arith.constant 0 : i32
        %dma_wait3A_273 = tpu.memref_slice %arg3[%add3A, %add3A_266, %dma_wait3A_271, %dma_wait3A_272] : memref<32x80x3x125xi32, #tpu.memory_space<hbm>> -> memref<1x1x3x125xi32, #tpu.memory_space<hbm>>
        %dma_wait3A_274 = tpu.memref_squeeze %dma_wait3A_273 : memref<1x1x3x125xi32, #tpu.memory_space<hbm>> -> memref<3x125xi32, #tpu.memory_space<hbm>>
        tpu.wait_dma2 semaphore(%arg18 : memref<!tpu.dma_semaphore, #tpu.memory_space<semaphore_mem>>) src(%dma_wait3A_274 : memref<3x125xi32, #tpu.memory_space<hbm>>) dst(%arg8 : memref<3x125xi32, #tpu.memory_space<vmem>>)
        %dma_start3A_275 = arith.constant 0 : i32
        %dma_start3A_276 = arith.constant 0 : i32
        %dma_start3A_277 = arith.constant 0 : i32
        %dma_start3A_278 = tpu.memref_slice %arg10[%dma_start3A_276, %dma_start3A_277] : memref<125x128xf32, #tpu.memory_space<vmem>> -> memref<64x128xf32, #tpu.memory_space<vmem>>
        %dma_start3A_279 = arith.constant 0 : i32
        %dma_start3A_280 = tpu.memref_slice %arg8[%dma_start3A_275, %dma_start3A_279] : memref<3x125xi32, #tpu.memory_space<vmem>> -> memref<1x64xi32, #tpu.memory_space<vmem>>
        %dma_start3A_281 = tpu.memref_squeeze %dma_start3A_280 : memref<1x64xi32, #tpu.memory_space<vmem>> -> memref<64xi32, #tpu.memory_space<vmem>>
        %dma_start3A_282 = arith.constant 0 : i32
        %dma_start3A_283 = arith.constant 0 : i32
        %dma_start3A_284 = tpu.memref_slice %arg2[%dma_start3A_282, %dma_start3A_283] : memref<10000x128xf32, #tpu.memory_space<hbm>> -> memref<10000x128xf32, #tpu.memory_space<hbm>>
        tpu.enqueue_indirect_dma source(%dma_start3A_284 : memref<10000x128xf32, #tpu.memory_space<hbm>>) target(%dma_start3A_278 : memref<64x128xf32, #tpu.memory_space<vmem>>) offsets(%dma_start3A_281 : memref<64xi32, #tpu.memory_space<vmem>>) semaphore(%arg14 : memref<!tpu.dma_semaphore, #tpu.memory_space<semaphore_mem>>)
        %dma_start3A_285 = arith.constant 0 : i32
        %dma_start3A_286 = arith.constant 64 : i32
        %dma_start3A_287 = arith.constant 0 : i32
        %dma_start3A_288 = tpu.memref_slice %arg10[%dma_start3A_286, %dma_start3A_287] : memref<125x128xf32, #tpu.memory_space<vmem>> -> memref<61x128xf32, #tpu.memory_space<vmem>>
        %dma_start3A_289 = arith.constant 64 : i32
        %dma_start3A_290 = tpu.memref_slice %arg8[%dma_start3A_285, %dma_start3A_289] : memref<3x125xi32, #tpu.memory_space<vmem>> -> memref<1x61xi32, #tpu.memory_space<vmem>>
        %dma_start3A_291 = tpu.memref_squeeze %dma_start3A_290 : memref<1x61xi32, #tpu.memory_space<vmem>> -> memref<61xi32, #tpu.memory_space<vmem>>
        %dma_start3A_292 = arith.constant 0 : i32
        %dma_start3A_293 = arith.constant 0 : i32
        %dma_start3A_294 = tpu.memref_slice %arg2[%dma_start3A_292, %dma_start3A_293] : memref<10000x128xf32, #tpu.memory_space<hbm>> -> memref<10000x128xf32, #tpu.memory_space<hbm>>
        tpu.enqueue_indirect_dma source(%dma_start3A_294 : memref<10000x128xf32, #tpu.memory_space<hbm>>) target(%dma_start3A_288 : memref<61x128xf32, #tpu.memory_space<vmem>>) offsets(%dma_start3A_291 : memref<61xi32, #tpu.memory_space<vmem>>) semaphore(%arg14 : memref<!tpu.dma_semaphore, #tpu.memory_space<semaphore_mem>>)
      } else {
      }
      %add3A_178 = arith.constant 4 : i32
      %add3A_179 = arith.addi %add3A_146, %add3A_178 : i32
      %lt3A_180 = arith.constant 80 : i32
      %lt3A_181 = arith.cmpi slt, %add3A_179, %lt3A_180 : i32
      %convert_element_type3A_182 = arith.extui %lt3A_181 : i1 to i32
      %cond3A_183 = arith.constant 0 : i32
      %cond3A_184 = arith.cmpi ne, %convert_element_type3A_182, %cond3A_183 : i32
      scf.if %cond3A_184 {
        %add3A_265 = arith.constant 4 : i32
        %add3A_266 = arith.addi %add3A_146, %add3A_265 : i32
        %dma_start3A_267 = arith.constant 0 : i32
        %dma_start3A_268 = arith.constant 0 : i32
        %dma_start3A_269 = tpu.memref_slice %arg3[%add3A, %add3A_266, %dma_start3A_267, %dma_start3A_268] : memref<32x80x3x125xi32, #tpu.memory_space<hbm>> -> memref<1x1x3x125xi32, #tpu.memory_space<hbm>>
        %dma_start3A_270 = tpu.memref_squeeze %dma_start3A_269 : memref<1x1x3x125xi32, #tpu.memory_space<hbm>> -> memref<3x125xi32, #tpu.memory_space<hbm>>
        %dma_start3A_271 = arith.constant 0 : i32
        %dma_start3A_272 = arith.constant 0 : i32
        %dma_start3A_273 = tpu.memref_slice %arg3[%add3A, %add3A_266, %dma_start3A_271, %dma_start3A_272] : memref<32x80x3x125xi32, #tpu.memory_space<hbm>> -> memref<1x1x3x125xi32, #tpu.memory_space<hbm>>
        %dma_start3A_274 = tpu.memref_squeeze %dma_start3A_273 : memref<1x1x3x125xi32, #tpu.memory_space<hbm>> -> memref<3x125xi32, #tpu.memory_space<hbm>>
        tpu.enqueue_dma source(%dma_start3A_274 : memref<3x125xi32, #tpu.memory_space<hbm>>) target(%arg6 : memref<3x125xi32, #tpu.memory_space<vmem>>) target_semaphore(%arg16 : memref<!tpu.dma_semaphore, #tpu.memory_space<semaphore_mem>>)
      } else {
      }
      %add3A_185 = arith.constant 2 : i32
      %add3A_186 = arith.addi %add3A_109, %add3A_185 : i32
      %dma_wait3A_187 = arith.constant 0 : i32
      %dma_wait3A_188 = arith.constant 0 : i32
      %dma_wait3A_189 = arith.constant 0 : i32
      %dma_wait3A_190 = tpu.memref_slice %arg9[%dma_wait3A_188, %dma_wait3A_189] : memref<125x128xf32, #tpu.memory_space<vmem>> -> memref<64x128xf32, #tpu.memory_space<vmem>>
      %dma_wait3A_191 = arith.constant 0 : i32
      %dma_wait3A_192 = tpu.memref_slice %arg7[%dma_wait3A_187, %dma_wait3A_191] : memref<3x125xi32, #tpu.memory_space<vmem>> -> memref<1x64xi32, #tpu.memory_space<vmem>>
      %dma_wait3A_193 = tpu.memref_squeeze %dma_wait3A_192 : memref<1x64xi32, #tpu.memory_space<vmem>> -> memref<64xi32, #tpu.memory_space<vmem>>
      %dma_wait3A_194 = arith.constant 0 : i32
      %dma_wait3A_195 = arith.constant 0 : i32
      %dma_wait3A_196 = tpu.memref_slice %arg2[%dma_wait3A_194, %dma_wait3A_195] : memref<10000x128xf32, #tpu.memory_space<hbm>> -> memref<10000x128xf32, #tpu.memory_space<hbm>>
      tpu.wait_indirect_dma semaphore(%arg13 : memref<!tpu.dma_semaphore, #tpu.memory_space<semaphore_mem>>) src(%dma_wait3A_196 : memref<10000x128xf32, #tpu.memory_space<hbm>>) dst(%dma_wait3A_190 : memref<64x128xf32, #tpu.memory_space<vmem>>)
      %dma_wait3A_197 = arith.constant 0 : i32
      %dma_wait3A_198 = arith.constant 64 : i32
      %dma_wait3A_199 = arith.constant 0 : i32
      %dma_wait3A_200 = tpu.memref_slice %arg9[%dma_wait3A_198, %dma_wait3A_199] : memref<125x128xf32, #tpu.memory_space<vmem>> -> memref<61x128xf32, #tpu.memory_space<vmem>>
      %dma_wait3A_201 = arith.constant 64 : i32
      %dma_wait3A_202 = tpu.memref_slice %arg7[%dma_wait3A_197, %dma_wait3A_201] : memref<3x125xi32, #tpu.memory_space<vmem>> -> memref<1x61xi32, #tpu.memory_space<vmem>>
      %dma_wait3A_203 = tpu.memref_squeeze %dma_wait3A_202 : memref<1x61xi32, #tpu.memory_space<vmem>> -> memref<61xi32, #tpu.memory_space<vmem>>
      %dma_wait3A_204 = arith.constant 0 : i32
      %dma_wait3A_205 = arith.constant 0 : i32
      %dma_wait3A_206 = tpu.memref_slice %arg2[%dma_wait3A_204, %dma_wait3A_205] : memref<10000x128xf32, #tpu.memory_space<hbm>> -> memref<10000x128xf32, #tpu.memory_space<hbm>>
      tpu.wait_indirect_dma semaphore(%arg13 : memref<!tpu.dma_semaphore, #tpu.memory_space<semaphore_mem>>) src(%dma_wait3A_206 : memref<10000x128xf32, #tpu.memory_space<hbm>>) dst(%dma_wait3A_200 : memref<61x128xf32, #tpu.memory_space<vmem>>)
      %parallel_loop3A_207 = arith.constant 0 : i32
      %parallel_loop3A_208 = arith.constant 125 : i32
      %parallel_loop3A_209 = arith.constant 1 : i32
      scf.for %parallel_loop3A_265 = %parallel_loop3A_207 to %parallel_loop3A_208 step %parallel_loop3A_209  : i32 {
        %parallel_loop3A_266 = vector.broadcast %parallel_loop3A_265 : i32 to vector<16xi32>
        %parallel_loop3A_267 = tpu.vector_load_idx %arg7[%broadcast_in_dim3A_80, %parallel_loop3A_266] : memref<3x125xi32, #tpu.memory_space<vmem>>[vector<16xi32>, vector<16xi32>], vector<16xi32>,
        %parallel_loop3A_268 = vector.bitcast %parallel_loop3A_267 : vector<16xi32> to vector<16xf32>
        %parallel_loop3A_269 = arith.index_cast %parallel_loop3A_265 : i32 to index
        %parallel_loop3A_270 = arith.constant 0 : index
        %parallel_loop3A_271 = tpu.vector_load %arg9[%parallel_loop3A_269, %parallel_loop3A_270] {strides = array<i32>} : memref<125x128xf32, #tpu.memory_space<vmem>>, vector<16xf32>,
        %parallel_loop3A_272 = arith.mulf %parallel_loop3A_271, %parallel_loop3A_268 : vector<16xf32>
        %parallel_loop3A_273 = arith.index_cast %parallel_loop3A_265 : i32 to index
        %parallel_loop3A_274 = arith.constant 0 : index
        %parallel_loop3A_275 = tpu.vector_load %arg9[%parallel_loop3A_273, %parallel_loop3A_274] {strides = array<i32>} : memref<125x128xf32, #tpu.memory_space<vmem>>, vector<16xf32>,
        tpu.vector_store %arg9[%parallel_loop3A_273, %parallel_loop3A_274], %parallel_loop3A_272 {strides = array<i32>} : memref<125x128xf32, #tpu.memory_space<vmem>>, vector<16xf32>,
        %parallel_loop3A_276 = arith.index_cast %parallel_loop3A_265 : i32 to index
        %parallel_loop3A_277 = arith.constant 16 : index
        %parallel_loop3A_278 = tpu.vector_load %arg9[%parallel_loop3A_276, %parallel_loop3A_277] {strides = array<i32>} : memref<125x128xf32, #tpu.memory_space<vmem>>, vector<16xf32>,
        %parallel_loop3A_279 = arith.mulf %parallel_loop3A_278, %parallel_loop3A_268 : vector<16xf32>
        %parallel_loop3A_280 = arith.index_cast %parallel_loop3A_265 : i32 to index
        %parallel_loop3A_281 = arith.constant 16 : index
        %parallel_loop3A_282 = tpu.vector_load %arg9[%parallel_loop3A_280, %parallel_loop3A_281] {strides = array<i32>} : memref<125x128xf32, #tpu.memory_space<vmem>>, vector<16xf32>,
        tpu.vector_store %arg9[%parallel_loop3A_280, %parallel_loop3A_281], %parallel_loop3A_279 {strides = array<i32>} : memref<125x128xf32, #tpu.memory_space<vmem>>, vector<16xf32>,
        %parallel_loop3A_283 = arith.index_cast %parallel_loop3A_265 : i32 to index
        %parallel_loop3A_284 = arith.constant 32 : index
        %parallel_loop3A_285 = tpu.vector_load %arg9[%parallel_loop3A_283, %parallel_loop3A_284] {strides = array<i32>} : memref<125x128xf32, #tpu.memory_space<vmem>>, vector<16xf32>,
        %parallel_loop3A_286 = arith.mulf %parallel_loop3A_285, %parallel_loop3A_268 : vector<16xf32>
        %parallel_loop3A_287 = arith.index_cast %parallel_loop3A_265 : i32 to index
        %parallel_loop3A_288 = arith.constant 32 : index
        %parallel_loop3A_289 = tpu.vector_load %arg9[%parallel_loop3A_287, %parallel_loop3A_288] {strides = array<i32>} : memref<125x128xf32, #tpu.memory_space<vmem>>, vector<16xf32>,
        tpu.vector_store %arg9[%parallel_loop3A_287, %parallel_loop3A_288], %parallel_loop3A_286 {strides = array<i32>} : memref<125x128xf32, #tpu.memory_space<vmem>>, vector<16xf32>,
        %parallel_loop3A_290 = arith.index_cast %parallel_loop3A_265 : i32 to index
        %parallel_loop3A_291 = arith.constant 48 : index
        %parallel_loop3A_292 = tpu.vector_load %arg9[%parallel_loop3A_290, %parallel_loop3A_291] {strides = array<i32>} : memref<125x128xf32, #tpu.memory_space<vmem>>, vector<16xf32>,
        %parallel_loop3A_293 = arith.mulf %parallel_loop3A_292, %parallel_loop3A_268 : vector<16xf32>
        %parallel_loop3A_294 = arith.index_cast %parallel_loop3A_265 : i32 to index
        %parallel_loop3A_295 = arith.constant 48 : index
        %parallel_loop3A_296 = tpu.vector_load %arg9[%parallel_loop3A_294, %parallel_loop3A_295] {strides = array<i32>} : memref<125x128xf32, #tpu.memory_space<vmem>>, vector<16xf32>,
        tpu.vector_store %arg9[%parallel_loop3A_294, %parallel_loop3A_295], %parallel_loop3A_293 {strides = array<i32>} : memref<125x128xf32, #tpu.memory_space<vmem>>, vector<16xf32>,
        %parallel_loop3A_297 = arith.index_cast %parallel_loop3A_265 : i32 to index
        %parallel_loop3A_298 = arith.constant 64 : index
        %parallel_loop3A_299 = tpu.vector_load %arg9[%parallel_loop3A_297, %parallel_loop3A_298] {strides = array<i32>} : memref<125x128xf32, #tpu.memory_space<vmem>>, vector<16xf32>,
        %parallel_loop3A_300 = arith.mulf %parallel_loop3A_299, %parallel_loop3A_268 : vector<16xf32>
        %parallel_loop3A_301 = arith.index_cast %parallel_loop3A_265 : i32 to index
        %parallel_loop3A_302 = arith.constant 64 : index
        %parallel_loop3A_303 = tpu.vector_load %arg9[%parallel_loop3A_301, %parallel_loop3A_302] {strides = array<i32>} : memref<125x128xf32, #tpu.memory_space<vmem>>, vector<16xf32>,
        tpu.vector_store %arg9[%parallel_loop3A_301, %parallel_loop3A_302], %parallel_loop3A_300 {strides = array<i32>} : memref<125x128xf32, #tpu.memory_space<vmem>>, vector<16xf32>,
        %parallel_loop3A_304 = arith.index_cast %parallel_loop3A_265 : i32 to index
        %parallel_loop3A_305 = arith.constant 80 : index
        %parallel_loop3A_306 = tpu.vector_load %arg9[%parallel_loop3A_304, %parallel_loop3A_305] {strides = array<i32>} : memref<125x128xf32, #tpu.memory_space<vmem>>, vector<16xf32>,
        %parallel_loop3A_307 = arith.mulf %parallel_loop3A_306, %parallel_loop3A_268 : vector<16xf32>
        %parallel_loop3A_308 = arith.index_cast %parallel_loop3A_265 : i32 to index
        %parallel_loop3A_309 = arith.constant 80 : index
        %parallel_loop3A_310 = tpu.vector_load %arg9[%parallel_loop3A_308, %parallel_loop3A_309] {strides = array<i32>} : memref<125x128xf32, #tpu.memory_space<vmem>>, vector<16xf32>,
        tpu.vector_store %arg9[%parallel_loop3A_308, %parallel_loop3A_309], %parallel_loop3A_307 {strides = array<i32>} : memref<125x128xf32, #tpu.memory_space<vmem>>, vector<16xf32>,
        %parallel_loop3A_311 = arith.index_cast %parallel_loop3A_265 : i32 to index
        %parallel_loop3A_312 = arith.constant 96 : index
        %parallel_loop3A_313 = tpu.vector_load %arg9[%parallel_loop3A_311, %parallel_loop3A_312] {strides = array<i32>} : memref<125x128xf32, #tpu.memory_space<vmem>>, vector<16xf32>,
        %parallel_loop3A_314 = arith.mulf %parallel_loop3A_313, %parallel_loop3A_268 : vector<16xf32>
        %parallel_loop3A_315 = arith.index_cast %parallel_loop3A_265 : i32 to index
        %parallel_loop3A_316 = arith.constant 96 : index
        %parallel_loop3A_317 = tpu.vector_load %arg9[%parallel_loop3A_315, %parallel_loop3A_316] {strides = array<i32>} : memref<125x128xf32, #tpu.memory_space<vmem>>, vector<16xf32>,
        tpu.vector_store %arg9[%parallel_loop3A_315, %parallel_loop3A_316], %parallel_loop3A_314 {strides = array<i32>} : memref<125x128xf32, #tpu.memory_space<vmem>>, vector<16xf32>,
        %parallel_loop3A_318 = arith.index_cast %parallel_loop3A_265 : i32 to index
        %parallel_loop3A_319 = arith.constant 112 : index
        %parallel_loop3A_320 = tpu.vector_load %arg9[%parallel_loop3A_318, %parallel_loop3A_319] {strides = array<i32>} : memref<125x128xf32, #tpu.memory_space<vmem>>, vector<16xf32>,
        %parallel_loop3A_321 = arith.mulf %parallel_loop3A_320, %parallel_loop3A_268 : vector<16xf32>
        %parallel_loop3A_322 = arith.index_cast %parallel_loop3A_265 : i32 to index
        %parallel_loop3A_323 = arith.constant 112 : index
        %parallel_loop3A_324 = tpu.vector_load %arg9[%parallel_loop3A_322, %parallel_loop3A_323] {strides = array<i32>} : memref<125x128xf32, #tpu.memory_space<vmem>>, vector<16xf32>,
        tpu.vector_store %arg9[%parallel_loop3A_322, %parallel_loop3A_323], %parallel_loop3A_321 {strides = array<i32>} : memref<125x128xf32, #tpu.memory_space<vmem>>, vector<16xf32>,
      } {sc.loop_unroll_factor = 2 : i64, sc.parallel_access}
      %run_scoped3A_210 = arith.constant 1 : i32
      "tpu.region"() ({
        %run_scoped3A_265 = tpu.sem_alloc : memref<!tpu.dma_semaphore, #tpu.memory_space<semaphore_mem>>
        %dma_start3A_266 = arith.constant 0 : i32
        %dma_start3A_267 = tpu.memref_slice %arg7[%run_scoped3A_210, %dma_start3A_266] : memref<3x125xi32, #tpu.memory_space<vmem>> -> memref<1x125xi32, #tpu.memory_space<vmem>>
        %dma_start3A_268 = tpu.memref_squeeze %dma_start3A_267 : memref<1x125xi32, #tpu.memory_space<vmem>> -> memref<125xi32, #tpu.memory_space<vmem>>
        %dma_start3A_269 = arith.constant 0 : i32
        %dma_start3A_270 = arith.constant 0 : i32
        %dma_start3A_271 = tpu.memref_slice %arg12[%dma_start3A_269, %dma_start3A_270] : memref<10000x128xf32, #tpu.memory_space<vmem_shared>> -> memref<10000x128xf32, #tpu.memory_space<vmem_shared>>
        tpu.enqueue_indirect_dma source(%arg9 : memref<125x128xf32, #tpu.memory_space<vmem>>) target(%dma_start3A_271 : memref<10000x128xf32, #tpu.memory_space<vmem_shared>>) offsets(%dma_start3A_268 : memref<125xi32, #tpu.memory_space<vmem>>) semaphore(%run_scoped3A_265 : memref<!tpu.dma_semaphore, #tpu.memory_space<semaphore_mem>>) {add = true}
        %dma_wait3A_272 = arith.constant 0 : i32
        %dma_wait3A_273 = tpu.memref_slice %arg7[%run_scoped3A_210, %dma_wait3A_272] : memref<3x125xi32, #tpu.memory_space<vmem>> -> memref<1x125xi32, #tpu.memory_space<vmem>>
        %dma_wait3A_274 = tpu.memref_squeeze %dma_wait3A_273 : memref<1x125xi32, #tpu.memory_space<vmem>> -> memref<125xi32, #tpu.memory_space<vmem>>
        %dma_wait3A_275 = arith.constant 0 : i32
        %dma_wait3A_276 = arith.constant 0 : i32
        %dma_wait3A_277 = tpu.memref_slice %arg12[%dma_wait3A_275, %dma_wait3A_276] : memref<10000x128xf32, #tpu.memory_space<vmem_shared>> -> memref<10000x128xf32, #tpu.memory_space<vmem_shared>>
        tpu.wait_indirect_dma semaphore(%run_scoped3A_265 : memref<!tpu.dma_semaphore, #tpu.memory_space<semaphore_mem>>) src(%arg9 : memref<125x128xf32, #tpu.memory_space<vmem>>) dst(%dma_wait3A_277 : memref<10000x128xf32, #tpu.memory_space<vmem_shared>>)
        tpu.yield
      }) : () -> ()
      %add3A_211 = arith.constant 2 : i32
      %add3A_212 = arith.addi %add3A_186, %add3A_211 : i32
      %lt3A_213 = arith.constant 80 : i32
      %lt3A_214 = arith.cmpi slt, %add3A_212, %lt3A_213 : i32
      %convert_element_type3A_215 = arith.extui %lt3A_214 : i1 to i32
      %cond3A_216 = arith.constant 0 : i32
      %cond3A_217 = arith.cmpi ne, %convert_element_type3A_215, %cond3A_216 : i32
      scf.if %cond3A_217 {
        %add3A_265 = arith.constant 2 : i32
        %add3A_266 = arith.addi %add3A_186, %add3A_265 : i32
        %dma_wait3A_267 = arith.constant 0 : i32
        %dma_wait3A_268 = arith.constant 0 : i32
        %dma_wait3A_269 = tpu.memref_slice %arg3[%add3A, %add3A_266, %dma_wait3A_267, %dma_wait3A_268] : memref<32x80x3x125xi32, #tpu.memory_space<hbm>> -> memref<1x1x3x125xi32, #tpu.memory_space<hbm>>
        %dma_wait3A_270 = tpu.memref_squeeze %dma_wait3A_269 : memref<1x1x3x125xi32, #tpu.memory_space<hbm>> -> memref<3x125xi32, #tpu.memory_space<hbm>>
        %dma_wait3A_271 = arith.constant 0 : i32
        %dma_wait3A_272 = arith.constant 0 : i32
        %dma_wait3A_273 = tpu.memref_slice %arg3[%add3A, %add3A_266, %dma_wait3A_271, %dma_wait3A_272] : memref<32x80x3x125xi32, #tpu.memory_space<hbm>> -> memref<1x1x3x125xi32, #tpu.memory_space<hbm>>
        %dma_wait3A_274 = tpu.memref_squeeze %dma_wait3A_273 : memref<1x1x3x125xi32, #tpu.memory_space<hbm>> -> memref<3x125xi32, #tpu.memory_space<hbm>>
        tpu.wait_dma2 semaphore(%arg15 : memref<!tpu.dma_semaphore, #tpu.memory_space<semaphore_mem>>) src(%dma_wait3A_274 : memref<3x125xi32, #tpu.memory_space<hbm>>) dst(%arg5 : memref<3x125xi32, #tpu.memory_space<vmem>>)
        %dma_start3A_275 = arith.constant 0 : i32
        %dma_start3A_276 = arith.constant 0 : i32
        %dma_start3A_277 = arith.constant 0 : i32
        %dma_start3A_278 = tpu.memref_slice %arg9[%dma_start3A_276, %dma_start3A_277] : memref<125x128xf32, #tpu.memory_space<vmem>> -> memref<64x128xf32, #tpu.memory_space<vmem>>
        %dma_start3A_279 = arith.constant 0 : i32
        %dma_start3A_280 = tpu.memref_slice %arg5[%dma_start3A_275, %dma_start3A_279] : memref<3x125xi32, #tpu.memory_space<vmem>> -> memref<1x64xi32, #tpu.memory_space<vmem>>
        %dma_start3A_281 = tpu.memref_squeeze %dma_start3A_280 : memref<1x64xi32, #tpu.memory_space<vmem>> -> memref<64xi32, #tpu.memory_space<vmem>>
        %dma_start3A_282 = arith.constant 0 : i32
        %dma_start3A_283 = arith.constant 0 : i32
        %dma_start3A_284 = tpu.memref_slice %arg2[%dma_start3A_282, %dma_start3A_283] : memref<10000x128xf32, #tpu.memory_space<hbm>> -> memref<10000x128xf32, #tpu.memory_space<hbm>>
        tpu.enqueue_indirect_dma source(%dma_start3A_284 : memref<10000x128xf32, #tpu.memory_space<hbm>>) target(%dma_start3A_278 : memref<64x128xf32, #tpu.memory_space<vmem>>) offsets(%dma_start3A_281 : memref<64xi32, #tpu.memory_space<vmem>>) semaphore(%arg13 : memref<!tpu.dma_semaphore, #tpu.memory_space<semaphore_mem>>)
        %dma_start3A_285 = arith.constant 0 : i32
        %dma_start3A_286 = arith.constant 64 : i32
        %dma_start3A_287 = arith.constant 0 : i32
        %dma_start3A_288 = tpu.memref_slice %arg9[%dma_start3A_286, %dma_start3A_287] : memref<125x128xf32, #tpu.memory_space<vmem>> -> memref<61x128xf32, #tpu.memory_space<vmem>>
        %dma_start3A_289 = arith.constant 64 : i32
        %dma_start3A_290 = tpu.memref_slice %arg5[%dma_start3A_285, %dma_start3A_289] : memref<3x125xi32, #tpu.memory_space<vmem>> -> memref<1x61xi32, #tpu.memory_space<vmem>>
        %dma_start3A_291 = tpu.memref_squeeze %dma_start3A_290 : memref<1x61xi32, #tpu.memory_space<vmem>> -> memref<61xi32, #tpu.memory_space<vmem>>
        %dma_start3A_292 = arith.constant 0 : i32
        %dma_start3A_293 = arith.constant 0 : i32
        %dma_start3A_294 = tpu.memref_slice %arg2[%dma_start3A_292, %dma_start3A_293] : memref<10000x128xf32, #tpu.memory_space<hbm>> -> memref<10000x128xf32, #tpu.memory_space<hbm>>
        tpu.enqueue_indirect_dma source(%dma_start3A_294 : memref<10000x128xf32, #tpu.memory_space<hbm>>) target(%dma_start3A_288 : memref<61x128xf32, #tpu.memory_space<vmem>>) offsets(%dma_start3A_291 : memref<61xi32, #tpu.memory_space<vmem>>) semaphore(%arg13 : memref<!tpu.dma_semaphore, #tpu.memory_space<semaphore_mem>>)
      } else {
      }
      %add3A_218 = arith.constant 4 : i32
      %add3A_219 = arith.addi %add3A_186, %add3A_218 : i32
      %lt3A_220 = arith.constant 80 : i32
      %lt3A_221 = arith.cmpi slt, %add3A_219, %lt3A_220 : i32
      %convert_element_type3A_222 = arith.extui %lt3A_221 : i1 to i32
      %cond3A_223 = arith.constant 0 : i32
      %cond3A_224 = arith.cmpi ne, %convert_element_type3A_222, %cond3A_223 : i32
      scf.if %cond3A_224 {
        %add3A_265 = arith.constant 4 : i32
        %add3A_266 = arith.addi %add3A_186, %add3A_265 : i32
        %dma_start3A_267 = arith.constant 0 : i32
        %dma_start3A_268 = arith.constant 0 : i32
        %dma_start3A_269 = tpu.memref_slice %arg3[%add3A, %add3A_266, %dma_start3A_267, %dma_start3A_268] : memref<32x80x3x125xi32, #tpu.memory_space<hbm>> -> memref<1x1x3x125xi32, #tpu.memory_space<hbm>>
        %dma_start3A_270 = tpu.memref_squeeze %dma_start3A_269 : memref<1x1x3x125xi32, #tpu.memory_space<hbm>> -> memref<3x125xi32, #tpu.memory_space<hbm>>
        %dma_start3A_271 = arith.constant 0 : i32
        %dma_start3A_272 = arith.constant 0 : i32
        %dma_start3A_273 = tpu.memref_slice %arg3[%add3A, %add3A_266, %dma_start3A_271, %dma_start3A_272] : memref<32x80x3x125xi32, #tpu.memory_space<hbm>> -> memref<1x1x3x125xi32, #tpu.memory_space<hbm>>
        %dma_start3A_274 = tpu.memref_squeeze %dma_start3A_273 : memref<1x1x3x125xi32, #tpu.memory_space<hbm>> -> memref<3x125xi32, #tpu.memory_space<hbm>>
        tpu.enqueue_dma source(%dma_start3A_274 : memref<3x125xi32, #tpu.memory_space<hbm>>) target(%arg7 : memref<3x125xi32, #tpu.memory_space<vmem>>) target_semaphore(%arg17 : memref<!tpu.dma_semaphore, #tpu.memory_space<semaphore_mem>>)
      } else {
      }
      %add3A_225 = arith.constant 3 : i32
      %add3A_226 = arith.addi %add3A_109, %add3A_225 : i32
      %dma_wait3A_227 = arith.constant 0 : i32
      %dma_wait3A_228 = arith.constant 0 : i32
      %dma_wait3A_229 = arith.constant 0 : i32
      %dma_wait3A_230 = tpu.memref_slice %arg10[%dma_wait3A_228, %dma_wait3A_229] : memref<125x128xf32, #tpu.memory_space<vmem>> -> memref<64x128xf32, #tpu.memory_space<vmem>>
      %dma_wait3A_231 = arith.constant 0 : i32
      %dma_wait3A_232 = tpu.memref_slice %arg8[%dma_wait3A_227, %dma_wait3A_231] : memref<3x125xi32, #tpu.memory_space<vmem>> -> memref<1x64xi32, #tpu.memory_space<vmem>>
      %dma_wait3A_233 = tpu.memref_squeeze %dma_wait3A_232 : memref<1x64xi32, #tpu.memory_space<vmem>> -> memref<64xi32, #tpu.memory_space<vmem>>
      %dma_wait3A_234 = arith.constant 0 : i32
      %dma_wait3A_235 = arith.constant 0 : i32
      %dma_wait3A_236 = tpu.memref_slice %arg2[%dma_wait3A_234, %dma_wait3A_235] : memref<10000x128xf32, #tpu.memory_space<hbm>> -> memref<10000x128xf32, #tpu.memory_space<hbm>>
      tpu.wait_indirect_dma semaphore(%arg14 : memref<!tpu.dma_semaphore, #tpu.memory_space<semaphore_mem>>) src(%dma_wait3A_236 : memref<10000x128xf32, #tpu.memory_space<hbm>>) dst(%dma_wait3A_230 : memref<64x128xf32, #tpu.memory_space<vmem>>)
      %dma_wait3A_237 = arith.constant 0 : i32
      %dma_wait3A_238 = arith.constant 64 : i32
      %dma_wait3A_239 = arith.constant 0 : i32
      %dma_wait3A_240 = tpu.memref_slice %arg10[%dma_wait3A_238, %dma_wait3A_239] : memref<125x128xf32, #tpu.memory_space<vmem>> -> memref<61x128xf32, #tpu.memory_space<vmem>>
      %dma_wait3A_241 = arith.constant 64 : i32
      %dma_wait3A_242 = tpu.memref_slice %arg8[%dma_wait3A_237, %dma_wait3A_241] : memref<3x125xi32, #tpu.memory_space<vmem>> -> memref<1x61xi32, #tpu.memory_space<vmem>>
      %dma_wait3A_243 = tpu.memref_squeeze %dma_wait3A_242 : memref<1x61xi32, #tpu.memory_space<vmem>> -> memref<61xi32, #tpu.memory_space<vmem>>
      %dma_wait3A_244 = arith.constant 0 : i32
      %dma_wait3A_245 = arith.constant 0 : i32
      %dma_wait3A_246 = tpu.memref_slice %arg2[%dma_wait3A_244, %dma_wait3A_245] : memref<10000x128xf32, #tpu.memory_space<hbm>> -> memref<10000x128xf32, #tpu.memory_space<hbm>>
      tpu.wait_indirect_dma semaphore(%arg14 : memref<!tpu.dma_semaphore, #tpu.memory_space<semaphore_mem>>) src(%dma_wait3A_246 : memref<10000x128xf32, #tpu.memory_space<hbm>>) dst(%dma_wait3A_240 : memref<61x128xf32, #tpu.memory_space<vmem>>)
      %parallel_loop3A_247 = arith.constant 0 : i32
      %parallel_loop3A_248 = arith.constant 125 : i32
      %parallel_loop3A_249 = arith.constant 1 : i32
      scf.for %parallel_loop3A_265 = %parallel_loop3A_247 to %parallel_loop3A_248 step %parallel_loop3A_249  : i32 {
        %parallel_loop3A_266 = vector.broadcast %parallel_loop3A_265 : i32 to vector<16xi32>
        %parallel_loop3A_267 = tpu.vector_load_idx %arg8[%broadcast_in_dim3A_80, %parallel_loop3A_266] : memref<3x125xi32, #tpu.memory_space<vmem>>[vector<16xi32>, vector<16xi32>], vector<16xi32>,
        %parallel_loop3A_268 = vector.bitcast %parallel_loop3A_267 : vector<16xi32> to vector<16xf32>
        %parallel_loop3A_269 = arith.index_cast %parallel_loop3A_265 : i32 to index
        %parallel_loop3A_270 = arith.constant 0 : index
        %parallel_loop3A_271 = tpu.vector_load %arg10[%parallel_loop3A_269, %parallel_loop3A_270] {strides = array<i32>} : memref<125x128xf32, #tpu.memory_space<vmem>>, vector<16xf32>,
        %parallel_loop3A_272 = arith.mulf %parallel_loop3A_271, %parallel_loop3A_268 : vector<16xf32>
        %parallel_loop3A_273 = arith.index_cast %parallel_loop3A_265 : i32 to index
        %parallel_loop3A_274 = arith.constant 0 : index
        %parallel_loop3A_275 = tpu.vector_load %arg10[%parallel_loop3A_273, %parallel_loop3A_274] {strides = array<i32>} : memref<125x128xf32, #tpu.memory_space<vmem>>, vector<16xf32>,
        tpu.vector_store %arg10[%parallel_loop3A_273, %parallel_loop3A_274], %parallel_loop3A_272 {strides = array<i32>} : memref<125x128xf32, #tpu.memory_space<vmem>>, vector<16xf32>,
        %parallel_loop3A_276 = arith.index_cast %parallel_loop3A_265 : i32 to index
        %parallel_loop3A_277 = arith.constant 16 : index
        %parallel_loop3A_278 = tpu.vector_load %arg10[%parallel_loop3A_276, %parallel_loop3A_277] {strides = array<i32>} : memref<125x128xf32, #tpu.memory_space<vmem>>, vector<16xf32>,
        %parallel_loop3A_279 = arith.mulf %parallel_loop3A_278, %parallel_loop3A_268 : vector<16xf32>
        %parallel_loop3A_280 = arith.index_cast %parallel_loop3A_265 : i32 to index
        %parallel_loop3A_281 = arith.constant 16 : index
        %parallel_loop3A_282 = tpu.vector_load %arg10[%parallel_loop3A_280, %parallel_loop3A_281] {strides = array<i32>} : memref<125x128xf32, #tpu.memory_space<vmem>>, vector<16xf32>,
        tpu.vector_store %arg10[%parallel_loop3A_280, %parallel_loop3A_281], %parallel_loop3A_279 {strides = array<i32>} : memref<125x128xf32, #tpu.memory_space<vmem>>, vector<16xf32>,
        %parallel_loop3A_283 = arith.index_cast %parallel_loop3A_265 : i32 to index
        %parallel_loop3A_284 = arith.constant 32 : index
        %parallel_loop3A_285 = tpu.vector_load %arg10[%parallel_loop3A_283, %parallel_loop3A_284] {strides = array<i32>} : memref<125x128xf32, #tpu.memory_space<vmem>>, vector<16xf32>,
        %parallel_loop3A_286 = arith.mulf %parallel_loop3A_285, %parallel_loop3A_268 : vector<16xf32>
        %parallel_loop3A_287 = arith.index_cast %parallel_loop3A_265 : i32 to index
        %parallel_loop3A_288 = arith.constant 32 : index
        %parallel_loop3A_289 = tpu.vector_load %arg10[%parallel_loop3A_287, %parallel_loop3A_288] {strides = array<i32>} : memref<125x128xf32, #tpu.memory_space<vmem>>, vector<16xf32>,
        tpu.vector_store %arg10[%parallel_loop3A_287, %parallel_loop3A_288], %parallel_loop3A_286 {strides = array<i32>} : memref<125x128xf32, #tpu.memory_space<vmem>>, vector<16xf32>,
        %parallel_loop3A_290 = arith.index_cast %parallel_loop3A_265 : i32 to index
        %parallel_loop3A_291 = arith.constant 48 : index
        %parallel_loop3A_292 = tpu.vector_load %arg10[%parallel_loop3A_290, %parallel_loop3A_291] {strides = array<i32>} : memref<125x128xf32, #tpu.memory_space<vmem>>, vector<16xf32>,
        %parallel_loop3A_293 = arith.mulf %parallel_loop3A_292, %parallel_loop3A_268 : vector<16xf32>
        %parallel_loop3A_294 = arith.index_cast %parallel_loop3A_265 : i32 to index
        %parallel_loop3A_295 = arith.constant 48 : index
        %parallel_loop3A_296 = tpu.vector_load %arg10[%parallel_loop3A_294, %parallel_loop3A_295] {strides = array<i32>} : memref<125x128xf32, #tpu.memory_space<vmem>>, vector<16xf32>,
        tpu.vector_store %arg10[%parallel_loop3A_294, %parallel_loop3A_295], %parallel_loop3A_293 {strides = array<i32>} : memref<125x128xf32, #tpu.memory_space<vmem>>, vector<16xf32>,
        %parallel_loop3A_297 = arith.index_cast %parallel_loop3A_265 : i32 to index
        %parallel_loop3A_298 = arith.constant 64 : index
        %parallel_loop3A_299 = tpu.vector_load %arg10[%parallel_loop3A_297, %parallel_loop3A_298] {strides = array<i32>} : memref<125x128xf32, #tpu.memory_space<vmem>>, vector<16xf32>,
        %parallel_loop3A_300 = arith.mulf %parallel_loop3A_299, %parallel_loop3A_268 : vector<16xf32>
        %parallel_loop3A_301 = arith.index_cast %parallel_loop3A_265 : i32 to index
        %parallel_loop3A_302 = arith.constant 64 : index
        %parallel_loop3A_303 = tpu.vector_load %arg10[%parallel_loop3A_301, %parallel_loop3A_302] {strides = array<i32>} : memref<125x128xf32, #tpu.memory_space<vmem>>, vector<16xf32>,
        tpu.vector_store %arg10[%parallel_loop3A_301, %parallel_loop3A_302], %parallel_loop3A_300 {strides = array<i32>} : memref<125x128xf32, #tpu.memory_space<vmem>>, vector<16xf32>,
        %parallel_loop3A_304 = arith.index_cast %parallel_loop3A_265 : i32 to index
        %parallel_loop3A_305 = arith.constant 80 : index
        %parallel_loop3A_306 = tpu.vector_load %arg10[%parallel_loop3A_304, %parallel_loop3A_305] {strides = array<i32>} : memref<125x128xf32, #tpu.memory_space<vmem>>, vector<16xf32>,
        %parallel_loop3A_307 = arith.mulf %parallel_loop3A_306, %parallel_loop3A_268 : vector<16xf32>
        %parallel_loop3A_308 = arith.index_cast %parallel_loop3A_265 : i32 to index
        %parallel_loop3A_309 = arith.constant 80 : index
        %parallel_loop3A_310 = tpu.vector_load %arg10[%parallel_loop3A_308, %parallel_loop3A_309] {strides = array<i32>} : memref<125x128xf32, #tpu.memory_space<vmem>>, vector<16xf32>,
        tpu.vector_store %arg10[%parallel_loop3A_308, %parallel_loop3A_309], %parallel_loop3A_307 {strides = array<i32>} : memref<125x128xf32, #tpu.memory_space<vmem>>, vector<16xf32>,
        %parallel_loop3A_311 = arith.index_cast %parallel_loop3A_265 : i32 to index
        %parallel_loop3A_312 = arith.constant 96 : index
        %parallel_loop3A_313 = tpu.vector_load %arg10[%parallel_loop3A_311, %parallel_loop3A_312] {strides = array<i32>} : memref<125x128xf32, #tpu.memory_space<vmem>>, vector<16xf32>,
        %parallel_loop3A_314 = arith.mulf %parallel_loop3A_313, %parallel_loop3A_268 : vector<16xf32>
        %parallel_loop3A_315 = arith.index_cast %parallel_loop3A_265 : i32 to index
        %parallel_loop3A_316 = arith.constant 96 : index
        %parallel_loop3A_317 = tpu.vector_load %arg10[%parallel_loop3A_315, %parallel_loop3A_316] {strides = array<i32>} : memref<125x128xf32, #tpu.memory_space<vmem>>, vector<16xf32>,
        tpu.vector_store %arg10[%parallel_loop3A_315, %parallel_loop3A_316], %parallel_loop3A_314 {strides = array<i32>} : memref<125x128xf32, #tpu.memory_space<vmem>>, vector<16xf32>,
        %parallel_loop3A_318 = arith.index_cast %parallel_loop3A_265 : i32 to index
        %parallel_loop3A_319 = arith.constant 112 : index
        %parallel_loop3A_320 = tpu.vector_load %arg10[%parallel_loop3A_318, %parallel_loop3A_319] {strides = array<i32>} : memref<125x128xf32, #tpu.memory_space<vmem>>, vector<16xf32>,
        %parallel_loop3A_321 = arith.mulf %parallel_loop3A_320, %parallel_loop3A_268 : vector<16xf32>
        %parallel_loop3A_322 = arith.index_cast %parallel_loop3A_265 : i32 to index
        %parallel_loop3A_323 = arith.constant 112 : index
        %parallel_loop3A_324 = tpu.vector_load %arg10[%parallel_loop3A_322, %parallel_loop3A_323] {strides = array<i32>} : memref<125x128xf32, #tpu.memory_space<vmem>>, vector<16xf32>,
        tpu.vector_store %arg10[%parallel_loop3A_322, %parallel_loop3A_323], %parallel_loop3A_321 {strides = array<i32>} : memref<125x128xf32, #tpu.memory_space<vmem>>, vector<16xf32>,
      } {sc.loop_unroll_factor = 2 : i64, sc.parallel_access}
      %run_scoped3A_250 = arith.constant 1 : i32
      "tpu.region"() ({
        %run_scoped3A_265 = tpu.sem_alloc : memref<!tpu.dma_semaphore, #tpu.memory_space<semaphore_mem>>
        %dma_start3A_266 = arith.constant 0 : i32
        %dma_start3A_267 = tpu.memref_slice %arg8[%run_scoped3A_250, %dma_start3A_266] : memref<3x125xi32, #tpu.memory_space<vmem>> -> memref<1x125xi32, #tpu.memory_space<vmem>>
        %dma_start3A_268 = tpu.memref_squeeze %dma_start3A_267 : memref<1x125xi32, #tpu.memory_space<vmem>> -> memref<125xi32, #tpu.memory_space<vmem>>
        %dma_start3A_269 = arith.constant 0 : i32
        %dma_start3A_270 = arith.constant 0 : i32
        %dma_start3A_271 = tpu.memref_slice %arg12[%dma_start3A_269, %dma_start3A_270] : memref<10000x128xf32, #tpu.memory_space<vmem_shared>> -> memref<10000x128xf32, #tpu.memory_space<vmem_shared>>
        tpu.enqueue_indirect_dma source(%arg10 : memref<125x128xf32, #tpu.memory_space<vmem>>) target(%dma_start3A_271 : memref<10000x128xf32, #tpu.memory_space<vmem_shared>>) offsets(%dma_start3A_268 : memref<125xi32, #tpu.memory_space<vmem>>) semaphore(%run_scoped3A_265 : memref<!tpu.dma_semaphore, #tpu.memory_space<semaphore_mem>>) {add = true}
        %dma_wait3A_272 = arith.constant 0 : i32
        %dma_wait3A_273 = tpu.memref_slice %arg8[%run_scoped3A_250, %dma_wait3A_272] : memref<3x125xi32, #tpu.memory_space<vmem>> -> memref<1x125xi32, #tpu.memory_space<vmem>>
        %dma_wait3A_274 = tpu.memref_squeeze %dma_wait3A_273 : memref<1x125xi32, #tpu.memory_space<vmem>> -> memref<125xi32, #tpu.memory_space<vmem>>
        %dma_wait3A_275 = arith.constant 0 : i32
        %dma_wait3A_276 = arith.constant 0 : i32
        %dma_wait3A_277 = tpu.memref_slice %arg12[%dma_wait3A_275, %dma_wait3A_276] : memref<10000x128xf32, #tpu.memory_space<vmem_shared>> -> memref<10000x128xf32, #tpu.memory_space<vmem_shared>>
        tpu.wait_indirect_dma semaphore(%run_scoped3A_265 : memref<!tpu.dma_semaphore, #tpu.memory_space<semaphore_mem>>) src(%arg10 : memref<125x128xf32, #tpu.memory_space<vmem>>) dst(%dma_wait3A_277 : memref<10000x128xf32, #tpu.memory_space<vmem_shared>>)
        tpu.yield
      }) : () -> ()
      %add3A_251 = arith.constant 2 : i32
      %add3A_252 = arith.addi %add3A_226, %add3A_251 : i32
      %lt3A_253 = arith.constant 80 : i32
      %lt3A_254 = arith.cmpi slt, %add3A_252, %lt3A_253 : i32
      %convert_element_type3A_255 = arith.extui %lt3A_254 : i1 to i32
      %cond3A_256 = arith.constant 0 : i32
      %cond3A_257 = arith.cmpi ne, %convert_element_type3A_255, %cond3A_256 : i32
      scf.if %cond3A_257 {
        %add3A_265 = arith.constant 2 : i32
        %add3A_266 = arith.addi %add3A_226, %add3A_265 : i32
        %dma_wait3A_267 = arith.constant 0 : i32
        %dma_wait3A_268 = arith.constant 0 : i32
        %dma_wait3A_269 = tpu.memref_slice %arg3[%add3A, %add3A_266, %dma_wait3A_267, %dma_wait3A_268] : memref<32x80x3x125xi32, #tpu.memory_space<hbm>> -> memref<1x1x3x125xi32, #tpu.memory_space<hbm>>
        %dma_wait3A_270 = tpu.memref_squeeze %dma_wait3A_269 : memref<1x1x3x125xi32, #tpu.memory_space<hbm>> -> memref<3x125xi32, #tpu.memory_space<hbm>>
        %dma_wait3A_271 = arith.constant 0 : i32
        %dma_wait3A_272 = arith.constant 0 : i32
        %dma_wait3A_273 = tpu.memref_slice %arg3[%add3A, %add3A_266, %dma_wait3A_271, %dma_wait3A_272] : memref<32x80x3x125xi32, #tpu.memory_space<hbm>> -> memref<1x1x3x125xi32, #tpu.memory_space<hbm>>
        %dma_wait3A_274 = tpu.memref_squeeze %dma_wait3A_273 : memref<1x1x3x125xi32, #tpu.memory_space<hbm>> -> memref<3x125xi32, #tpu.memory_space<hbm>>
        tpu.wait_dma2 semaphore(%arg16 : memref<!tpu.dma_semaphore, #tpu.memory_space<semaphore_mem>>) src(%dma_wait3A_274 : memref<3x125xi32, #tpu.memory_space<hbm>>) dst(%arg6 : memref<3x125xi32, #tpu.memory_space<vmem>>)
        %dma_start3A_275 = arith.constant 0 : i32
        %dma_start3A_276 = arith.constant 0 : i32
        %dma_start3A_277 = arith.constant 0 : i32
        %dma_start3A_278 = tpu.memref_slice %arg10[%dma_start3A_276, %dma_start3A_277] : memref<125x128xf32, #tpu.memory_space<vmem>> -> memref<64x128xf32, #tpu.memory_space<vmem>>
        %dma_start3A_279 = arith.constant 0 : i32
        %dma_start3A_280 = tpu.memref_slice %arg6[%dma_start3A_275, %dma_start3A_279] : memref<3x125xi32, #tpu.memory_space<vmem>> -> memref<1x64xi32, #tpu.memory_space<vmem>>
        %dma_start3A_281 = tpu.memref_squeeze %dma_start3A_280 : memref<1x64xi32, #tpu.memory_space<vmem>> -> memref<64xi32, #tpu.memory_space<vmem>>
        %dma_start3A_282 = arith.constant 0 : i32
        %dma_start3A_283 = arith.constant 0 : i32
        %dma_start3A_284 = tpu.memref_slice %arg2[%dma_start3A_282, %dma_start3A_283] : memref<10000x128xf32, #tpu.memory_space<hbm>> -> memref<10000x128xf32, #tpu.memory_space<hbm>>
        tpu.enqueue_indirect_dma source(%dma_start3A_284 : memref<10000x128xf32, #tpu.memory_space<hbm>>) target(%dma_start3A_278 : memref<64x128xf32, #tpu.memory_space<vmem>>) offsets(%dma_start3A_281 : memref<64xi32, #tpu.memory_space<vmem>>) semaphore(%arg14 : memref<!tpu.dma_semaphore, #tpu.memory_space<semaphore_mem>>)
        %dma_start3A_285 = arith.constant 0 : i32
        %dma_start3A_286 = arith.constant 64 : i32
        %dma_start3A_287 = arith.constant 0 : i32
        %dma_start3A_288 = tpu.memref_slice %arg10[%dma_start3A_286, %dma_start3A_287] : memref<125x128xf32, #tpu.memory_space<vmem>> -> memref<61x128xf32, #tpu.memory_space<vmem>>
        %dma_start3A_289 = arith.constant 64 : i32
        %dma_start3A_290 = tpu.memref_slice %arg6[%dma_start3A_285, %dma_start3A_289] : memref<3x125xi32, #tpu.memory_space<vmem>> -> memref<1x61xi32, #tpu.memory_space<vmem>>
        %dma_start3A_291 = tpu.memref_squeeze %dma_start3A_290 : memref<1x61xi32, #tpu.memory_space<vmem>> -> memref<61xi32, #tpu.memory_space<vmem>>
        %dma_start3A_292 = arith.constant 0 : i32
        %dma_start3A_293 = arith.constant 0 : i32
        %dma_start3A_294 = tpu.memref_slice %arg2[%dma_start3A_292, %dma_start3A_293] : memref<10000x128xf32, #tpu.memory_space<hbm>> -> memref<10000x128xf32, #tpu.memory_space<hbm>>
        tpu.enqueue_indirect_dma source(%dma_start3A_294 : memref<10000x128xf32, #tpu.memory_space<hbm>>) target(%dma_start3A_288 : memref<61x128xf32, #tpu.memory_space<vmem>>) offsets(%dma_start3A_291 : memref<61xi32, #tpu.memory_space<vmem>>) semaphore(%arg14 : memref<!tpu.dma_semaphore, #tpu.memory_space<semaphore_mem>>)
      } else {
      }
      %add3A_258 = arith.constant 4 : i32
      %add3A_259 = arith.addi %add3A_226, %add3A_258 : i32
      %lt3A_260 = arith.constant 80 : i32
      %lt3A_261 = arith.cmpi slt, %add3A_259, %lt3A_260 : i32
      %convert_element_type3A_262 = arith.extui %lt3A_261 : i1 to i32
      %cond3A_263 = arith.constant 0 : i32
      %cond3A_264 = arith.cmpi ne, %convert_element_type3A_262, %cond3A_263 : i32
      scf.if %cond3A_264 {
        %add3A_265 = arith.constant 4 : i32
        %add3A_266 = arith.addi %add3A_226, %add3A_265 : i32
        %dma_start3A_267 = arith.constant 0 : i32
        %dma_start3A_268 = arith.constant 0 : i32
        %dma_start3A_269 = tpu.memref_slice %arg3[%add3A, %add3A_266, %dma_start3A_267, %dma_start3A_268] : memref<32x80x3x125xi32, #tpu.memory_space<hbm>> -> memref<1x1x3x125xi32, #tpu.memory_space<hbm>>
        %dma_start3A_270 = tpu.memref_squeeze %dma_start3A_269 : memref<1x1x3x125xi32, #tpu.memory_space<hbm>> -> memref<3x125xi32, #tpu.memory_space<hbm>>
        %dma_start3A_271 = arith.constant 0 : i32
        %dma_start3A_272 = arith.constant 0 : i32
        %dma_start3A_273 = tpu.memref_slice %arg3[%add3A, %add3A_266, %dma_start3A_271, %dma_start3A_272] : memref<32x80x3x125xi32, #tpu.memory_space<hbm>> -> memref<1x1x3x125xi32, #tpu.memory_space<hbm>>
        %dma_start3A_274 = tpu.memref_squeeze %dma_start3A_273 : memref<1x1x3x125xi32, #tpu.memory_space<hbm>> -> memref<3x125xi32, #tpu.memory_space<hbm>>
        tpu.enqueue_dma source(%dma_start3A_274 : memref<3x125xi32, #tpu.memory_space<hbm>>) target(%arg8 : memref<3x125xi32, #tpu.memory_space<vmem>>) target_semaphore(%arg18 : memref<!tpu.dma_semaphore, #tpu.memory_space<semaphore_mem>>)
      } else {
      }
    }
    %scan3A_85 = arith.constant 20 : i32
    %barrier3A_86 = arith.constant 0 : index
    tpu.barrier barrier_id(%barrier3A_86)
    %sub3A_87 = arith.constant 125 : i32
    %sub3A_88 = arith.subi %sub3A_87, %arg1 : i32
    %sub3A_89 = arith.constant 16 : i32
    %sub3A_90 = arith.constant 1 : i32
    %sub3A_91 = arith.subi %sub3A_89, %sub3A_90 : i32
    %add3A_92 = arith.addi %sub3A_88, %sub3A_91 : i32
    %div3A_93 = arith.constant 16 : i32
    %div3A_94 = arith.divsi %add3A_92, %div3A_93 : i32
    %while3A_95 = arith.constant 16 : i32
    %while3A_96 = arith.constant 0 : i32
    %while3A_97 = arith.subi %div3A_94, %while3A_96 : i32
    %while3A_98 = arith.addi %while3A_96, %while3A_97 : i32
    %while3A_99 = arith.constant 1 : i32
    %while3A_100 = arith.divsi %while3A_97, %while3A_99 : i32
    %while3A_101 = arith.muli %while3A_100, %while3A_99 : i32
    %while3A_102 = arith.addi %while3A_96, %while3A_101 : i32
    %while3A_103 = arith.constant 1 : i32
    scf.for %while3A_105 = %while3A_96 to %while3A_102 step %while3A_103  : i32 {
      %mul3A_106 = arith.muli %while3A_105, %while3A_95 : i32
      %add3A_107 = arith.addi %arg1, %mul3A_106 : i32
      %mul3A_108 = arith.constant 80 : i32
      %mul3A_109 = arith.muli %add3A_107, %mul3A_108 : i32
      "tpu.region"() ({
        %run_scoped3A_110 = tpu.sem_alloc : memref<!tpu.dma_semaphore, #tpu.memory_space<semaphore_mem>>
        %dma_start3A_111 = arith.constant 0 : i32
        %dma_start3A_112 = tpu.memref_slice %arg4[%arg0, %mul3A_109, %dma_start3A_111] : memref<2x10000x128xf32, #tpu.memory_space<hbm>> -> memref<1x80x128xf32, #tpu.memory_space<hbm>>
        %dma_start3A_113 = tpu.memref_squeeze %dma_start3A_112 : memref<1x80x128xf32, #tpu.memory_space<hbm>> -> memref<80x128xf32, #tpu.memory_space<hbm>>
        %dma_start3A_114 = arith.constant 0 : i32
        %dma_start3A_115 = tpu.memref_slice %arg12[%mul3A_109, %dma_start3A_114] : memref<10000x128xf32, #tpu.memory_space<vmem_shared>> -> memref<80x128xf32, #tpu.memory_space<vmem_shared>>
        tpu.enqueue_dma source(%dma_start3A_115 : memref<80x128xf32, #tpu.memory_space<vmem_shared>>) target(%dma_start3A_113 : memref<80x128xf32, #tpu.memory_space<hbm>>) target_semaphore(%run_scoped3A_110 : memref<!tpu.dma_semaphore, #tpu.memory_space<semaphore_mem>>)
        %dma_wait3A = arith.constant 0 : i32
        %dma_wait3A_116 = tpu.memref_slice %arg4[%arg0, %mul3A_109, %dma_wait3A] : memref<2x10000x128xf32, #tpu.memory_space<hbm>> -> memref<1x80x128xf32, #tpu.memory_space<hbm>>
        %dma_wait3A_117 = tpu.memref_squeeze %dma_wait3A_116 : memref<1x80x128xf32, #tpu.memory_space<hbm>> -> memref<80x128xf32, #tpu.memory_space<hbm>>
        %dma_wait3A_118 = arith.constant 0 : i32
        %dma_wait3A_119 = tpu.memref_slice %arg12[%mul3A_109, %dma_wait3A_118] : memref<10000x128xf32, #tpu.memory_space<vmem_shared>> -> memref<80x128xf32, #tpu.memory_space<vmem_shared>>
        tpu.wait_dma2 semaphore(%run_scoped3A_110 : memref<!tpu.dma_semaphore, #tpu.memory_space<semaphore_mem>>) src(%dma_wait3A_119 : memref<80x128xf32, #tpu.memory_space<vmem_shared>>) dst(%dma_wait3A_117 : memref<80x128xf32, #tpu.memory_space<hbm>>)
        tpu.yield
      }) : () -> ()
    }
    %while3A_104 = arith.constant 1 : i32
    scf.for %while3A_105 = %while3A_102 to %while3A_98 step %while3A_104  : i32 {
      %mul3A_106 = arith.muli %while3A_105, %while3A_95 : i32
      %add3A_107 = arith.addi %arg1, %mul3A_106 : i32
      %mul3A_108 = arith.constant 80 : i32
      %mul3A_109 = arith.muli %add3A_107, %mul3A_108 : i32
      "tpu.region"() ({
        %run_scoped3A_110 = tpu.sem_alloc : memref<!tpu.dma_semaphore, #tpu.memory_space<semaphore_mem>>
        %dma_start3A_111 = arith.constant 0 : i32
        %dma_start3A_112 = tpu.memref_slice %arg4[%arg0, %mul3A_109, %dma_start3A_111] : memref<2x10000x128xf32, #tpu.memory_space<hbm>> -> memref<1x80x128xf32, #tpu.memory_space<hbm>>
        %dma_start3A_113 = tpu.memref_squeeze %dma_start3A_112 : memref<1x80x128xf32, #tpu.memory_space<hbm>> -> memref<80x128xf32, #tpu.memory_space<hbm>>
        %dma_start3A_114 = arith.constant 0 : i32
        %dma_start3A_115 = tpu.memref_slice %arg12[%mul3A_109, %dma_start3A_114] : memref<10000x128xf32, #tpu.memory_space<vmem_shared>> -> memref<80x128xf32, #tpu.memory_space<vmem_shared>>
        tpu.enqueue_dma source(%dma_start3A_115 : memref<80x128xf32, #tpu.memory_space<vmem_shared>>) target(%dma_start3A_113 : memref<80x128xf32, #tpu.memory_space<hbm>>) target_semaphore(%run_scoped3A_110 : memref<!tpu.dma_semaphore, #tpu.memory_space<semaphore_mem>>)
        %dma_wait3A = arith.constant 0 : i32
        %dma_wait3A_116 = tpu.memref_slice %arg4[%arg0, %mul3A_109, %dma_wait3A] : memref<2x10000x128xf32, #tpu.memory_space<hbm>> -> memref<1x80x128xf32, #tpu.memory_space<hbm>>
        %dma_wait3A_117 = tpu.memref_squeeze %dma_wait3A_116 : memref<1x80x128xf32, #tpu.memory_space<hbm>> -> memref<80x128xf32, #tpu.memory_space<hbm>>
        %dma_wait3A_118 = arith.constant 0 : i32
        %dma_wait3A_119 = tpu.memref_slice %arg12[%mul3A_109, %dma_wait3A_118] : memref<10000x128xf32, #tpu.memory_space<vmem_shared>> -> memref<80x128xf32, #tpu.memory_space<vmem_shared>>
        tpu.wait_dma2 semaphore(%run_scoped3A_110 : memref<!tpu.dma_semaphore, #tpu.memory_space<semaphore_mem>>) src(%dma_wait3A_119 : memref<80x128xf32, #tpu.memory_space<vmem_shared>>) dst(%dma_wait3A_117 : memref<80x128xf32, #tpu.memory_space<hbm>>)
        tpu.yield
      }) : () -> ()
    }
    return
  }
}

module attributes {stable_mosaic.version = 14 : i64} {
  func.func @body(%arg0: i32, %arg1: memref<1000x128xf32, #tpu.memory_space<vmem>>, %arg2: memref<128x128xf32, #tpu.memory_space<vmem>>, %arg3: memref<1000x128xf32, #tpu.memory_space<vmem>>) attributes {dimension_semantics = [#tpu.dimension_semantics<arbitrary>], iteration_bounds = array<i64: 10>, scalar_prefetch = 0 : i64, scratch_operands = 0 : i64, tpu.core_type = #tpu.core_type<tc>, window_params = [{transform_indices = @transform_0, window_bounds = array<i64: 1000, 128>}, {pipeline_mode = #tpu.pipeline_mode<synchronous>, transform_indices = @transform_1, window_bounds = array<i64: 128, 128>}, {transform_indices = @transform_2, window_bounds = array<i64: 1000, 128>}]} {
    %get3A = arith.constant 0 : index
    %get3A_0 = arith.constant 0 : index
    %get3A_1 = vector.load %arg1[%get3A, %get3A_0] : memref<1000x128xf32, #tpu.memory_space<vmem>>, vector<1000x128xf32>
    %get3A_2 = arith.constant 0 : index
    %get3A_3 = arith.constant 0 : index
    %get3A_4 = vector.load %arg2[%get3A_2, %get3A_3] : memref<128x128xf32, #tpu.memory_space<vmem>>, vector<128x128xf32>
    %dot_general3A = arith.constant dense<0.000000e+00> : vector<1000x128xf32>
    %dot_general3A_5 = tpu.matmul %get3A_1, %get3A_4, %dot_general3A {dimension_numbers = #tpu.dot_dimension_numbers<[1], [0], [0], [1], [0, 0, 1, 1], [], []>, transpose_lhs_hint = false} : vector<1000x128xf32>, vector<128x128xf32>, vector<1000x128xf32> -> vector<1000x128xf32>
    %swap3A = arith.constant 0 : index
    %swap3A_6 = arith.constant 0 : index
    %swap3A_7 = vector.load %arg3[%swap3A, %swap3A_6] : memref<1000x128xf32, #tpu.memory_space<vmem>>, vector<1000x128xf32>
    tpu.vector_store %arg3[%swap3A, %swap3A_6], %dot_general3A_5 {strides = array<i32>} : memref<1000x128xf32, #tpu.memory_space<vmem>>, vector<1000x128xf32>,
    return
  }
  func.func @transform_0(%arg0: i32) -> (i32, i32) {
    %c0_i32 = arith.constant 0 : i32
    %c0_i32_0 = arith.constant 0 : i32
    return %arg0, %c0_i32 : i32, i32
  }
  func.func @transform_1(%arg0: i32) -> (i32, i32) {
    %c0_i32 = arith.constant 0 : i32
    %c0_i32_0 = arith.constant 0 : i32
    %c0_i32_1 = arith.constant 0 : i32
    return %c0_i32, %c0_i32_0 : i32, i32
  }
  func.func @transform_2(%arg0: i32) -> (i32, i32) {
    %c0_i32 = arith.constant 0 : i32
    %c0_i32_0 = arith.constant 0 : i32
    return %arg0, %c0_i32 : i32, i32
  }
}

module attributes {stable_mosaic.version = 14 : i64} {
  func.func @body(%arg0: i32, %arg1: memref<1000x128xf32, #tpu.memory_space<vmem>>, %arg2: memref<1000x128xf32, #tpu.memory_space<vmem>>, %arg3: memref<1x128xf32, #tpu.memory_space<vmem>>, %arg4: memref<1000x128xf32, #tpu.memory_space<vmem>>) attributes {dimension_semantics = [#tpu.dimension_semantics<arbitrary>], iteration_bounds = array<i64: 10>, scalar_prefetch = 0 : i64, scratch_operands = 0 : i64, tpu.core_type = #tpu.core_type<tc>, window_params = [{transform_indices = @transform_0, window_bounds = array<i64: 1000, 128>}, {transform_indices = @transform_1, window_bounds = array<i64: 1000, 128>}, {pipeline_mode = #tpu.pipeline_mode<synchronous>, transform_indices = @transform_2, window_bounds = array<i64: 1, 128>}, {transform_indices = @transform_3, window_bounds = array<i64: 1000, 128>}]} {
    %get3A = arith.constant 0 : index
    %get3A_0 = arith.constant 0 : index
    %get3A_1 = vector.load %arg1[%get3A, %get3A_0] : memref<1000x128xf32, #tpu.memory_space<vmem>>, vector<1000x128xf32>
    %get3A_2 = arith.constant 0 : index
    %get3A_3 = arith.constant 0 : index
    %get3A_4 = vector.load %arg2[%get3A_2, %get3A_3] : memref<1000x128xf32, #tpu.memory_space<vmem>>, vector<1000x128xf32>
    %add3A = arith.addf %get3A_1, %get3A_4 : vector<1000x128xf32>
    %get3A_5 = arith.constant 0 : index
    %get3A_6 = arith.constant 0 : index
    %get3A_7 = vector.load %arg3[%get3A_5, %get3A_6] : memref<1x128xf32, #tpu.memory_space<vmem>>, vector<1x128xf32>
    %add3A_8 = vector.broadcast %get3A_7 : vector<1x128xf32> to vector<1000x128xf32>
    %add3A_9 = arith.addf %add3A, %add3A_8 : vector<1000x128xf32>
    %max3A = arith.constant 0.000000e+00 : f32
    %max3A_10 = vector.broadcast %max3A : f32 to vector<1000x128xf32>
    %max3A_11 = arith.maximumf %add3A_9, %max3A_10 : vector<1000x128xf32>
    %swap3A = arith.constant 0 : index
    %swap3A_12 = arith.constant 0 : index
    %swap3A_13 = vector.load %arg4[%swap3A, %swap3A_12] : memref<1000x128xf32, #tpu.memory_space<vmem>>, vector<1000x128xf32>
    tpu.vector_store %arg4[%swap3A, %swap3A_12], %max3A_11 {strides = array<i32>} : memref<1000x128xf32, #tpu.memory_space<vmem>>, vector<1000x128xf32>,
    return
  }
  func.func @transform_0(%arg0: i32) -> (i32, i32) {
    %c0_i32 = arith.constant 0 : i32
    %c0_i32_0 = arith.constant 0 : i32
    return %arg0, %c0_i32 : i32, i32
  }
  func.func @transform_1(%arg0: i32) -> (i32, i32) {
    %c0_i32 = arith.constant 0 : i32
    %c0_i32_0 = arith.constant 0 : i32
    return %arg0, %c0_i32 : i32, i32
  }
  func.func @transform_2(%arg0: i32) -> (i32, i32) {
    %c0_i32 = arith.constant 0 : i32
    %c0_i32_0 = arith.constant 0 : i32
    %c0_i32_1 = arith.constant 0 : i32
    return %c0_i32, %c0_i32_0 : i32, i32
  }
  func.func @transform_3(%arg0: i32) -> (i32, i32) {
    %c0_i32 = arith.constant 0 : i32
    %c0_i32_0 = arith.constant 0 : i32
    return %arg0, %c0_i32 : i32, i32
  }
}

</mosaic_0001>

<sc_bundles>
// kernel: kernel.6.cloned.1.call-start
scs
__scs_entry_jumppad:
0x0: {  	(pc) =	sbr.rel $0x88, $3  }
0x1: {  	(tag) =	ssettag $0x0;
	lr =	simm.s32 $0x1  }
0x2: {  	[smem:$0x3F9C] =	sst lr;
	_ =	strace $0xD0000000  }
0x3: {  	_ = 	snop  }
0x4: {  	_ = 	snop  }
0x5: {  	_ = 	snop  }
0x6: {  	_ = 	snop  }
0x7: {  	_ = 	snop  }
__scs_overlays_trampoline_lowered:
0x8: {  	[smem:$0x3FAB] =	sst s0  }
0x9: {  	[smem:$0x3FAC] =	sst s1  }
0xa: {  	[smem:$0x3FAD] =	sst s2  }
0xb: {  	[smem:$0x3FAE] =	sst s3  }
0xc: {  	[smem:$0x3FAF] =	sst s4  }
0xd: {  	[smem:$0x3FB0] =	sst s5  }
0xe: {  	[smem:$0x3FB1] =	sst s6  }
0xf: {  	[smem:$0x3FB2] =	sst s7  }
0x10: {  	[smem:$0x3FB3] =	sst s8  }
0x11: {  	[smem:$0x3FB4] =	sst s9;
	s0 =	simm.s32 @!p0 $0x0  }
0x12: {  	s1 =	sld [smem:$0x3F9A];
	s0 =	simm.s32 @p0 $0x1  }
0x13: {  	[smem:$0x3FB5] =	sst s0;
	s0 =	simm.s32 @!p1 $0x0  }
0x14: {  	s2 =	sld [smem:$0x3F99];
	s0 =	simm.s32 @p1 $0x1  }
0x15: {  	[smem:$0x3FB6] =	sst s0;
	s0 =	simm.s32 @!p2 $0x0  }
0x16: {  	s3 =	sld [smem:$0x3FDB];
	s0 =	simm.s32 @p2 $0x1  }
0x17: {  	s4 =	simm.s32 $0x1BF5;
	[smem:$0x3FB8] =	sst s0  }
0x18: {  	s0 =	sld [smem:$0x3F9B];
	_ =	swait.ge [sflag:s4], $0x0  }
0x19: {  	s7 =	sld [smem:$0x3F9C]  }
0x1a: {  	s8 =	sadd.s32 $0xFFFFE003, lr  }
0x1b: {  	s9 =	sadd.s32 $0xFFFFFEF7, lr;
	s5 =	simm.s32 $0xFFFFFFFF;
	p2 =	slt.u32 s8, $0xFFFFF086  }
0x1c: {  	p1 =	slt.u32 s9, $0xF7A;
	s5 =	simm.s32 @!p2 $0x0  }
0x1d: {  	s5 =	simm.s32 @p1 $0x1;
	p0 =	seq.s32 s7, s2  }
0x1e: {  	s7 =	smul.u32 @!p0 $0xF7A, s2;
	p2 =	seq.s32 @!p0 s5, $0x0  }
0x1f: {  	s9 =	smul.u32 $0xF7A, s1;
	s8 =	simm.s32 @!p0 $0x1BF5;
	p2 =	por !p2, p0  }
0x20: {  	[sflag:s8] =	ssyncset.s32 @!p0 $0xFFFFF086;
	s6 =	sadd.s32 @!p0 s3, s7;
	s7 =	simm.s32 @!p0 $0x108  }
0x21: {  	s3 =	sadd.s32 s3, s9;
	s6 =	sadd.s32 @!p0 $0x88, s6;
	s7 =	simm.s32 @p2 $0x1082  }
0x22: {  	[simem:s7], [sflag:s8] =	dma.local @!p0 [hbm:s6], $0xF7A  }
0x23: {  	s9 =	sor.u32 $0xD0000000, s2;
	s6 =	simm.s32 $0x108;
	_ =	swait.ge @!p0 [sflag:s8], $0x0  }
0x24: {  	s3 =	sadd.s32 $0x88, s3;
	s6 =	simm.s32 @!p1 $0x1082;
	[sflag:s4] =	ssyncset.s32 $0xFFFFF086  }
0x25: {  	[simem:s6], [sflag:s4] =	dma.local [hbm:s3], $0xF7A  }
0x26: {  	[smem:$0x3F9C] =	sst s1;
	(tag) =	ssettag s2;
	_ =	strace s9  }
0x27: {  	s1 =	sld [smem:$0x3FAC]  }
0x28: {  	s2 =	sld [smem:$0x3FAD]  }
0x29: {  	s4 =	sld [smem:$0x3FAF]  }
0x2a: {  	p0 =	seq.s32 s5, $0x0;
	s5 =	sld [smem:$0x3FB0]  }
0x2b: {  	s6 =	sld [smem:$0x3FB1]  }
0x2c: {  	s7 =	sld [smem:$0x3FB2]  }
0x2d: {  	s3 =	simm.s32 $0x108;
	s8 =	sld [smem:$0x3FB3]  }
0x2e: {  	s3 =	simm.s32 @!p0 $0x1082;
	s9 =	sld [smem:$0x3FB4]  }
0x2f: {  	lr =	sadd.s32 s0, s3;
	s0 =	sld [smem:$0x3FAB]  }
0x30: {  	s3 =	sld [smem:$0x3FAE]  }
0x31: {  	[smem:$0x3FB7] =	sst s10  }
0x32: {  	s10 =	sld [smem:$0x3FB5];
	_ =	sdelay $0x3  }
0x33: {  	p0 =	seq.s32 s10, $0x1;
	s10 =	sld [smem:$0x3FB7];
	_ =	sdelay $0x3  }
0x34: {  	[smem:$0x3FB7] =	sst s10  }
0x35: {  	s10 =	sld [smem:$0x3FB6];
	_ =	sdelay $0x3  }
0x36: {  	p1 =	seq.s32 s10, $0x1;
	s10 =	sld [smem:$0x3FB7];
	_ =	sdelay $0x3  }
0x37: {  	[smem:$0x3FB7] =	sst s10  }
0x38: {  	s10 =	sld [smem:$0x3FB8]  }
0x39: {  	_ = 	snop;
	(pc) =	sbr.ind lr, $3  }
0x3a: {  	_ = 	snop  }
0x3b: {  	_ = 	snop  }
0x3c: {  	p2 =	seq.s32 s10, $0x1;
	s10 =	sld [smem:$0x3FB7]  }
0x3d: {  	_ =	shalt  }
0x3e: {  	_ =	shalt  }
0x3f: {  	_ =	shalt  }
0x40: {  	_ =	shalt  }
0x41: {  	_ =	shalt  }
0x42: {  	_ =	shalt  }
0x43: {  	_ =	shalt  }
0x44: {  	_ =	shalt  }
0x45: {  	_ =	shalt  }
0x46: {  	_ =	shalt  }
0x47: {  	_ =	shalt  }
0x48: {  	_ =	shalt  }
0x49: {  	_ =	shalt  }
0x4a: {  	_ =	shalt  }
0x4b: {  	_ =	shalt  }
0x4c: {  	_ =	shalt  }
0x4d: {  	_ =	shalt  }
0x4e: {  	_ =	shalt  }
0x4f: {  	_ =	shalt  }
0x50: {  	_ =	shalt  }
0x51: {  	_ =	shalt  }
0x52: {  	_ =	shalt  }
0x53: {  	_ =	shalt  }
0x54: {  	_ =	shalt  }
0x55: {  	_ =	shalt  }
0x56: {  	_ =	shalt  }
0x57: {  	_ =	shalt  }
0x58: {  	_ =	shalt  }
0x59: {  	_ =	shalt  }
0x5a: {  	_ =	shalt  }
0x5b: {  	_ =	shalt  }
0x5c: {  	_ =	shalt  }
0x5d: {  	_ =	shalt  }
0x5e: {  	_ =	shalt  }
0x5f: {  	_ =	shalt  }
0x60: {  	_ =	shalt  }
0x61: {  	_ =	shalt  }
0x62: {  	_ =	shalt  }
0x63: {  	_ =	shalt  }
0x64: {  	_ =	shalt  }
0x65: {  	_ =	shalt  }
0x66: {  	_ =	shalt  }
0x67: {  	_ =	shalt  }
0x68: {  	_ =	shalt  }
0x69: {  	_ =	shalt  }
0x6a: {  	_ =	shalt  }
0x6b: {  	_ =	shalt  }
0x6c: {  	_ =	shalt  }
0x6d: {  	_ =	shalt  }
0x6e: {  	_ =	shalt  }
0x6f: {  	_ =	shalt  }
0x70: {  	_ =	shalt  }
0x71: {  	_ =	shalt  }
0x72: {  	_ =	shalt  }
0x73: {  	_ =	shalt  }
0x74: {  	_ =	shalt  }
0x75: {  	_ =	shalt  }
0x76: {  	_ =	shalt  }
0x77: {  	_ =	shalt  }
0x78: {  	_ =	shalt  }
0x79: {  	_ =	shalt  }
0x7a: {  	_ =	shalt  }
0x7b: {  	_ =	shalt  }
0x7c: {  	_ =	shalt  }
0x7d: {  	_ =	shalt  }
0x7e: {  	_ =	shalt  }
0x7f: {  	_ =	shalt  }
0x80: {  	_ =	shalt  }
0x81: {  	_ =	shalt  }
0x82: {  	_ =	shalt  }
0x83: {  	_ =	shalt  }
0x84: {  	_ =	shalt  }
0x85: {  	_ =	shalt  }
0x86: {  	_ =	shalt  }
0x87: {  	_ =	shalt  }
.Lfunc_end0:
.L_simem_size_0:
called_computation_lowered:
.L_overlay_start_0:
0x88: {  	s2 =	sld [smem:$0x3FD9]  }
0x89: {  	s3 =	sld [smem:$0x3FFE];
	_ =	sdelay $0x1  }
0x8a: {  	s1 =	srdreg.scid  }
0x8b: {  	s0 =	sand.u32 $0x1, s1  }
0x8c: {  	s17 =	sshll.u32 s0, $0xA;
	s2 =	sadd.s32 s3, s2  }
0x8d: {  	s2 =	sadd.s32 s2, s17  }
0x8e: {  	[smem:$0x3FC3] =	sst s2  }
0x8f: {  	_ = 	snop  }
0x90: {  	s2 =	sld [smem:$0x3FD0];
	(tm) =	ssettm $0x1  }
0x91: {  	s18 =	sld [smem:$0x3FFB];
	_ =	sdelay $0x3  }
0x92: {  	_ =	strace s18  }
0x93: {  	s3 =	sld [smem:$0x3FFC];
	_ =	sdelay $0x3  }
0x94: {  	_ =	strace s3  }
0x95: {  	s3 =	sld [smem:$0x3FFD];
	_ =	sdelay $0x3  }
0x96: {  	_ =	strace s3  }
0x97: {  	_ =	strace $0x8FFFFFFF  }
0x98: {  	s19 =	sld [smem:$0x3FDB];
	_ =	sdelay $0x1  }
0x99: {  	s4 =	simm.s32 $_scs_section_size  }
0x9a: {  	s5 =	simm.s32 $_size__tile_overlayer_lowered;
	s6 =	simm.s32 $_tile_overlayer_lowered  }
0x9b: {  	s22 =	simm.s32 $0x1BFF;
	s21 =	sshll.u32 s6, $0x1;
	s3 =	sadd.s32 s4, s19  }
0x9c: {  	s7 =	simm.s32 $0x0;
	s20 =	sshll.u32 s5, $0x1;
	s5 =	sadd.s32 s21, s3  }
0x9d: {  	[timem:s7], [sflag:s22] =	dma.local [hbm:s5], s20  }
0x9e: {  	_ =	swait.ge [sflag:s22], s20  }
0x9f: {  	s4 =	ssub.s32 $0x0, s20;
	[sflag:s22] =	ssyncset.done $0x0  }
0xa0: {  	[sflag:s22] =	ssyncadd.s32 s4;
	_ =	sdelay $0x1  }
0xa1: {  	s23 =	simm.s32 $0x1B8B  }
0xa2: {  	_ =	swait.ge [sflag:s23], $0x1  }
0xa3: {  	[sflag:s23] =	ssyncset.done $0x0  }
0xa4: {  	s25 =	simm.s32 $0x1B8E;
	s24 =	sld [smem:$0x3FFE];
	[sflag:s23] =	ssyncadd.s32 $0xFFFFFFFF  }
0xa5: {  	s26 =	simm.s32 $execute0_lowered;
	[smem:$0x3FD2] =	sst s25  }
0xa6: {  	s5 =	sshll.u32 s26, $0x1;
	_ =	strace $0x80000046;
	[dreg:$0x1] =	wrdreg $0xFFFFFFFF  }
0xa7: {  	s28 =	simm.s32 $_size_execute0_lowered;
	s3 =	sadd.s32 s3, s5;
	[dreg:$0x0] =	wrdreg $0x0  }
0xa8: {  	s5 =	sshll.u32 s28, $0x1;
	[dreg:$0x2] =	wrdreg s3  }
0xa9: {  	[dreg:$0x3] =	wrdreg s5  }
0xaa: {  	[dreg:$0x4] =	wrdreg $0xC0  }
0xab: {  	_ =	task [dreg:s7], $0x5FFFF  }
0xac: {  	[dreg:$0x1] =	wrdreg $0xFFFFFFFF  }
0xad: {  	[dreg:$0x0] =	wrdreg $0x60  }
0xae: {  	[dreg:$0x2] =	wrdreg s2  }
0xaf: {  	[dreg:$0x3] =	wrdreg s24  }
0xb0: {  	[dreg:$0x4] =	wrdreg $0xB0000  }
0xb1: {  	[dreg:$0x5] =	wrdreg $0x9  }
0xb2: {  	_ =	task.clear_ibuf [dreg:s7], $0x6FFFF;
	_ =	strace $0x90000046  }
0xb3: {  	s29 =	simm.s32 $0x9;
	_ =	strace $0x80000048  }
0xb4: {  	_ =	swait.ge [sflag:s29], $0x1  }
0xb5: {  	[sflag:s29] =	ssyncadd.s32 $0xFFFFFFFF  }
0xb6: {  	_ =	strace $0x90000048  }
0xb7: {  	_ =	sfence  }
0xb8: {  	s30 =	sld [smem:$0x0];
	_ =	sdelay $0x2  }
0xb9: {  	s31 =	sshll.u32 s1, $0xD;
	s1 =	sshrl.u32 s1, $0x2  }
0xba: {  	s3 =	sand.u32 $0x4000, s31;
	s1 =	sadd.s32 s1, s30  }
0xbb: {  	s0 =	sor.u32 s3, s0;
	s1 =	sshll.u32 s1, $0x11  }
0xbc: {  	s0 =	sor.u32 s1, s0  }
0xbd: {  	s0 =	sadd.s32 $0x8F2B, s0  }
0xbe: {  	[sflag:s0] =	ssyncadd.remote.s32 $0x1  }
0xbf: {  	_ =	sfence.sel $0xFFFF  }
0xc0: {  	[dreg:$0x0] =	wrdreg $0xFFFFFFFF;
	(pc) =	sbr.abs _section_cstart, $3  }
0xc1: {  	[dreg:$0x1] =	wrdreg $0xFFFFFFFF  }
0xc2: {  	_ =	task.clear_ibuf [dreg:s7], $0x2FFFF;
	_ =	strace $0x9FFFFFFF  }
0xc3: {  	(tm) =	ssettm $0x7FFFFFFF  }
tec
execute0_lowered:
.L_overlay_start_1:
0x0: {  	(tag) =	ssettag $0x1  }
0x1: {  	s1 =	rddreg [dreg:$0x0]  }
0x2: {  	s0 =	srdreg.scid;
	s2 =	rddreg [dreg:$0x1]  }
0x3: {  	s10 =	stileid.u32;
	s3 =	rddreg [dreg:$0x2]  }
0x4: {  	s4 =	simm.s32 $0x0;
	s18 =	simm.s32 $0x8800;
	s19 =	simm.s32 $0x7  }
0x5: {  	s20 =	simm.s32 $0x200;
	s28 =	simm.s32 $0x6800;
	s29 =	simm.s32 $0x400  }
0x6: {  	s30 =	simm.s32 $0x600;
	s31 =	simm.s32 $0x1;
	s0 =	sand.u32 $0x1, s0  }
0x7: {  	s6 =	smul.u32 $0x2800, s10;
	s7 =	sshll.u32 s10, $0x1;
	[smem:$0x7FF] =	sst s4  }
0x8: {  	s9 =	ssub.s32 $0x8C, s10;
	s24 =	smul.u32 $0xA000, s10;
	s10 =	simm.s32 $0x2  }
0x9: {  	s5 =	smul.u32 $0x138800, s0;
	s7 =	sor.u32 s0, s7;
	_ =	strace $0x80000047  }
0xa: {  	s0 =	ssub.s32 $0x2, s0;
	s17 =	sshrl.u32 s9, $0x4;
	s7 =	smul.u32 $0xA000, s7  }
0xb: {  	s8 =	sshrl.u32 s0, $0x1;
	s25 =	sshrl.u32 s24, $0x2;
	[dreg:$0x5] =	wrdreg s17  }
0xc: {  	s6 =	sadd.s32 s6, s5;
	s5 =	sadd.s32 $0xE00, s2;
	s0 =	ssub.s32 s0, s8  }
0xd: {  	s8 =	simm.s32 $0x5;
	s6 =	sshrl.u32 s6, $0x3;
	s21 =	sshrl.u32 s7, $0x3  }
0xe: {  	s11 =	sor.u32 $0x800, s7;
	s12 =	sor.u32 $0xA00, s7;
	s0 =	smax.u32 s0, $0x1  }
0xf: {  	s2 =	sadd.s32 s6, s2;
	s6 =	sadd.s32 s5, s21;
	[dreg:$0x9] =	wrdreg s0  }
0x10: {  	s13 =	sor.u32 $0xC00, s7;
	s0 =	sadd.s32 s25, s3;
	[dreg:$0x4] =	wrdreg s6  }
0x11: {  	s14 =	sor.u32 $0xE00, s7;
	s22 =	sadd.s32 $0x40, s6;
	[dreg:$0xa] =	wrdreg s0  }
0x12: {  	s7 =	simm.s32 $0x0;
	s23 =	sadd.s32 $0x80, s6;
	[dreg:$0x6] =	wrdreg s22  }
0x13: {  	s21 =	simm.s32 $0x40;
	s6 =	sadd.s32 $0xC0, s6;
	[dreg:$0x7] =	wrdreg s23  }
0x14: {  	s25 =	simm.s32 $0x4800;
	s26 =	sadd.s32 $0x28E00, s2;
	[dreg:$0x8] =	wrdreg s6  }
0x15: {  	s2 =	simm.s32 $0x7D;
	[dreg:$0xb] =	wrdreg s26;
	s22 =	simm.s32 $0x800  }
0x16: {  	v0 =	vimm.f32 $0.0e+00;
	v1 =	vimm.s32 $0x17C;
	s23 =	simm.s32 $0x3D;
	s6 =	simm.s32 $0x6;
	s26 =	simm.s32 $0x4  }
.LBB2_1:
0x17: {  	[dreg:$0xc] =	wrdreg s7;
	s0 =	simm.s32 $0x0;
	s7 =	simm.s32 $0x200  }
.LBB2_2:
0x18: {  	p0 =	sne.s32 s7, $0x9E00;
	[tilespmem:s0+$0x8870] =	vst v0  }
0x19: {  	[tilespmem:s0+$0x8800] =	vst v0  }
0x1a: {  	[tilespmem:s0+$0x8810] =	vst v0  }
.Ltmp0:
0x1b: {  	[tilespmem:s0+$0x8820] =	vst v0;
	(pc) =	sbr.rel @p0 .LBB2_2-.Ltmp0, $4  }
0x1c: {  	[tilespmem:s0+$0x8830] =	vst v0  }
0x1d: {  	[tilespmem:s0+$0x8840] =	vst v0  }
0x1e: {  	[tilespmem:s0+$0x8850] =	vst v0  }
0x1f: {  	[tilespmem:s0+$0x8860] =	vst v0;
	s0 =	sshra.s32 s7, $0x2;
	s7 =	sadd.s32 $0x200, s7  }
0x20: {  	[tilespmem:s0+$0x8870] =	vst v0  }
0x21: {  	[tilespmem:s0+$0x8800] =	vst v0  }
0x22: {  	[tilespmem:s0+$0x8810] =	vst v0  }
0x23: {  	[tilespmem:s0+$0x8820] =	vst v0  }
0x24: {  	[tilespmem:s0+$0x8830] =	vst v0  }
0x25: {  	[tilespmem:s0+$0x8840] =	vst v0;
	p0 =	sne.s32 s17, $0x1  }
.Ltmp1:
0x26: {  	[tilespmem:s0+$0x8850] =	vst v0;
	(pc) =	sbr.rel @!p0 .LBB2_5-.Ltmp1, $4  }
0x27: {  	[tilespmem:s0+$0x8860] =	vst v0;
	s7 =	rddreg [dreg:$0xa]  }
0x28: {  	[spmem:s7] =	stream.linear.scatter [tilespmem:s18], [sflag:$0x7], $0x2800, $0x38;
	[tilespmem:$0x1E880] =	vst v63  }
0x29: {  	_ =	swait.ge [sflag:s19], $0x2800  }
0x2a: {  	s0 =	sadd.s32 $0xFFFFFFFF, s17;
	[sflag:s19] =	ssyncset.done $0x0  }
.LBB2_4:
0x2b: {  	p1 =	sne.s32 s0, $0x1;
	[sflag:s19] =	ssyncadd.s32 $0xFFFFD800;
	s7 =	sadd.s32 $0x28000, s7  }
.Ltmp2:
0x2c: {  	s0 =	sadd.s32 $0xFFFFFFFF, s0;
	(pc) =	sbr.rel @p1 .LBB2_4-.Ltmp2, $4  }
0x2d: {  	_ = 	snop  }
0x2e: {  	[spmem:s7] =	stream.linear.scatter [tilespmem:s18], [sflag:$0x7], $0x2800, $0x38;
	[tilespmem:$0x1E880] =	vst v63  }
0x2f: {  	_ =	swait.ge [sflag:s19], $0x2800  }
0x30: {  	[sflag:s19] =	ssyncset.done $0x0  }
.LBB2_5:
0x31: {  	[sflag:s19] =	ssyncadd.s32 $0xFFFFD800  }
0x32: {  	[bflag:$0x0] =	sbarrier.arrive $0xFFFF  }
0x33: {  	s0 =	simm.s32 $0x0;
	s7 =	rddreg [dreg:$0x4]  }
0x34: {  	[tilespmem:s0], [sflag:$0x7] =	stream.linear.gather [hbm4b:s7+s0], $0x180, $0x38;
	[tilespmem:$0x1E880] =	vst v63  }
0x35: {  	_ =	swait.ge [sflag:s19], $0x180  }
0x36: {  	[sflag:s19] =	ssyncset.done $0x0  }
0x37: {  	s9 =	rddreg [dreg:$0x6];
	[sflag:s19] =	ssyncadd.s32 $0xFFFFFE80  }
0x38: {  	[tilespmem:s20], [sflag:$0x7] =	stream.linear.gather [hbm4b:s9+s0], $0x180, $0x38;
	[tilespmem:$0x1E880] =	vst v63  }
0x39: {  	_ =	swait.ge [sflag:s19], $0x180  }
0x3a: {  	[sflag:s19] =	ssyncset.done $0x0  }
0x3b: {  	[sflag:s19] =	ssyncadd.s32 $0xFFFFFE80  }
0x3c: {  	[tilespmem:s22], [sflag:$0x1] =	stream.indirect.gather [hbm4b:s1+s21], $0x80, s0, s21, $0xb8;
	[tilespmem:$0x1E880] =	vst v63  }
0x3d: {  	s15 =	simm.s32 $0x2800  }
0x3e: {  	[tilespmem:s15], [sflag:$0x1] =	stream.indirect.gather [hbm4b:s1+s23], $0x80, s21, s23, $0xb8;
	[tilespmem:$0x1E880] =	vst v63  }
0x3f: {  	_ = 	snop  }
0x40: {  	[tilespmem:s25], [sflag:$0x2] =	stream.indirect.gather [hbm4b:s1+s21], $0x80, s20, s21, $0xb8;
	[tilespmem:$0x1E880] =	vst v63  }
0x41: {  	s16 =	simm.s32 $0x240  }
0x42: {  	[tilespmem:s28], [sflag:$0x2] =	stream.indirect.gather [hbm4b:s1+s23], $0x80, s16, s23, $0xb8;
	[tilespmem:$0x1E880] =	vst v63  }
0x43: {  	s17 =	rddreg [dreg:$0x7]  }
0x44: {  	[tilespmem:s29], [sflag:$0x5] =	stream.linear.gather [hbm4b:s17+s0], $0x180, $0x38;
	[tilespmem:$0x1E880] =	vst v63  }
0x45: {  	s9 =	simm.s32 $0x0;
	s24 =	rddreg [dreg:$0x8]  }
0x46: {  	[tilespmem:s30], [sflag:$0x6] =	stream.linear.gather [hbm4b:s24+s0], $0x180, $0x38;
	[tilespmem:$0x1E880] =	vst v63  }
.LBB2_6:
0x47: {  	v2 =	vmov s0;
	s7 =	simm.s32 $0x1  }
0x48: {  	v2 =	vand.u32 $0x7E, v2;
	v3 =	vmov s7  }
0x49: {  	_ =	swait.ge [sflag:s31], $0x2000;
	v2 =	vor.u32 $0x100, v2;
	v3 =	vand.u32 $0x7F, v3  }
0x4a: {  	[sflag:s31] =	ssyncset.done $0x0;
	v2 =	vbroadcast v2, $0x0;
	v3 =	vor.u32 $0x100, v3  }
0x4b: {  	[sflag:s31] =	ssyncadd.s32 $0xFFFFE000;
	v4 =	vbroadcast v3, $0x0  }
0x4c: {  	_ =	swait.ge [sflag:s31], $0x1E80  }
0x4d: {  	[sflag:s31] =	ssyncset.done $0x0  }
0x4e: {  	s15 =	simm.s32 $0x880;
	[sflag:s31] =	ssyncadd.s32 $0xFFFFE180  }
0x4f: {  	v5 =	vld [tilespmem:s15+$0x70]  }
0x50: {  	v3 =	vld.idx.msk [tilespmem:v2+s4+$0x0], $0xffff  }
0x51: {  	v2 =	vld.idx.msk [tilespmem:v4+s4+$0x0], $0xffff  }
0x52: {  	v7 =	vld [tilespmem:s15+$0xFFFFFF80]  }
0x53: {  	v9 =	vld [tilespmem:s15+$0xFFFFFF90]  }
0x54: {  	v8 =	vld [tilespmem:s15+$0xFFFFFFA0]  }
0x55: {  	v6 =	vld [tilespmem:s15+$0xFFFFFFB0]  }
0x56: {  	v4 =	vld [tilespmem:s15+$0xFFFFFFC0];
	v12 =	vmul.f32 v2, v5  }
0x57: {  	s24 =	simm.s32 $0x2;
	v10 =	vmul.f32 v3, v7;
	v5 =	vld [tilespmem:s15+$0xFFFFFFD0]  }
0x58: {  	s16 =	simm.s32 $0x3;
	s17 =	simm.s32 $0x880;
	v11 =	vmov s24;
	s7 =	simm.s32 $0x4;
	v9 =	vmul.f32 v3, v9;
	v7 =	vld [tilespmem:s15+$0xFFFFFFE0];
	[tilespmem:s15+$0x70] =	vst v12  }
.LBB2_7:
0x59: {  	p1 =	slt.u32 s7, $0x7A;
	v11 =	vand.u32 $0x7E, v11;
	v12 =	vmov s16;
	[tilespmem:s15+$0xFFFFFF80] =	vst v10;
	v8 =	vmul.f32 v3, v8;
	v10 =	vld [tilespmem:s15+$0xFFFFFFF0]  }
0x5a: {  	v11 =	vor.u32 $0x100, v11;
	v12 =	vand.u32 $0x7F, v12;
	[tilespmem:s15+$0xFFFFFF90] =	vst v9;
	v6 =	vmul.f32 v3, v6;
	v9 =	vld [tilespmem:s15+$0x0]  }
0x5b: {  	v11 =	vbroadcast v11, $0x0;
	v12 =	vor.u32 $0x100, v12;
	[tilespmem:s15+$0xFFFFFFA0] =	vst v8;
	v4 =	vmul.f32 v3, v4;
	v8 =	vld [tilespmem:s15+$0x10]  }
0x5c: {  	v12 =	vbroadcast v12, $0x0;
	[tilespmem:s15+$0xFFFFFFB0] =	vst v6;
	v5 =	vmul.f32 v3, v5;
	v6 =	vld [tilespmem:s15+$0x20]  }
0x5d: {  	[tilespmem:s15+$0xFFFFFFC0] =	vst v4;
	v4 =	vmul.f32 v3, v7;
	v7 =	vld [tilespmem:s15+$0x30]  }
0x5e: {  	[tilespmem:s15+$0xFFFFFFD0] =	vst v5;
	v3 =	vmul.f32 v3, v10;
	v5 =	vld [tilespmem:s15+$0x40]  }
0x5f: {  	[tilespmem:s15+$0xFFFFFFE0] =	vst v4;
	v4 =	vmul.f32 v2, v9;
	v9 =	vld [tilespmem:s15+$0x50]  }
0x60: {  	[tilespmem:s15+$0xFFFFFFF0] =	vst v3;
	v8 =	vmul.f32 v2, v8;
	v10 =	vld [tilespmem:s15+$0x60]  }
0x61: {  	v3 =	vld.idx.msk [tilespmem:v11+s4+$0x0], $0xffff;
	[tilespmem:s15+$0x0] =	vst v4;
	v4 =	vmul.f32 v2, v6  }
0x62: {  	s15 =	sadd.s32 $0x100, s15;
	v11 =	vld.idx.msk [tilespmem:v12+s4+$0x0], $0xffff;
	[tilespmem:s17+$0x10] =	vst v8;
	v6 =	vmul.f32 v2, v7  }
0x63: {  	v7 =	vld [tilespmem:s15+$0x70];
	[tilespmem:s17+$0x20] =	vst v4;
	v4 =	vmul.f32 v2, v5  }
0x64: {  	v5 =	vld [tilespmem:s15+$0xFFFFFF80];
	[tilespmem:s17+$0x30] =	vst v6;
	v6 =	vmul.f32 v2, v9  }
0x65: {  	v9 =	vld [tilespmem:s15+$0xFFFFFF90];
	[tilespmem:s17+$0x40] =	vst v4;
	v10 =	vmul.f32 v2, v10  }
.Ltmp3:
0x66: {  	v8 =	vld [tilespmem:s15+$0xFFFFFFA0];
	[tilespmem:s17+$0x50] =	vst v6;
	(pc) =	sbr.rel @p1 .LBB2_7-.Ltmp3, $4  }
0x67: {  	v6 =	vld [tilespmem:s15+$0xFFFFFFB0];
	[tilespmem:s17+$0x60] =	vst v10;
	s17 =	smov.u32 s15  }
0x68: {  	v2 =	vmov v11;
	v4 =	vld [tilespmem:s15+$0xFFFFFFC0];
	v12 =	vmul.f32 v11, v7  }
0x69: {  	v10 =	vmul.f32 v3, v5;
	v5 =	vld [tilespmem:s15+$0xFFFFFFD0]  }
0x6a: {  	s16 =	sadd.s32 $0x1, s7;
	v11 =	vmov s7;
	s7 =	sadd.s32 $0x2, s7;
	v9 =	vmul.f32 v3, v9;
	v7 =	vld [tilespmem:s15+$0xFFFFFFE0];
	[tilespmem:s15+$0x70] =	vst v12  }
0x6b: {  	[tilespmem:s15+$0xFFFFFF80] =	vst v10;
	v10 =	vand.u32 $0x7E, v11;
	v12 =	vld [tilespmem:s15+$0xFFFFFFF0]  }
0x6c: {  	v11 =	vmov s16;
	v13 =	vld [tilespmem:s15+$0x0];
	v8 =	vmul.f32 v3, v8;
	v10 =	vor.u32 $0x100, v10  }
0x6d: {  	v14 =	vld [tilespmem:s15+$0x10];
	v11 =	vand.u32 $0x7F, v11;
	[tilespmem:s15+$0xFFFFFF90] =	vst v9;
	v6 =	vmul.f32 v3, v6;
	v10 =	vbroadcast v10, $0x0  }
0x6e: {  	v11 =	vor.u32 $0x100, v11;
	[tilespmem:s15+$0xFFFFFFA0] =	vst v8;
	v4 =	vmul.f32 v3, v4;
	v8 =	vld [tilespmem:s15+$0x30]  }
0x6f: {  	v9 =	vbroadcast v11, $0x0;
	v11 =	vld [tilespmem:s15+$0x20];
	[tilespmem:s15+$0xFFFFFFB0] =	vst v6;
	v5 =	vmul.f32 v3, v5  }
0x70: {  	v6 =	vld [tilespmem:s15+$0x40];
	[tilespmem:s15+$0xFFFFFFC0] =	vst v4;
	v4 =	vmul.f32 v3, v7  }
0x71: {  	v7 =	vld [tilespmem:s15+$0x50];
	[tilespmem:s15+$0xFFFFFFD0] =	vst v5;
	v3 =	vmul.f32 v3, v12  }
0x72: {  	v5 =	vld [tilespmem:s15+$0x60];
	[tilespmem:s15+$0xFFFFFFE0] =	vst v4;
	v4 =	vmul.f32 v2, v13  }
0x73: {  	s7 =	sadd.s32 $0x100, s15;
	[tilespmem:s15+$0xFFFFFFF0] =	vst v3;
	v10 =	vld.idx.msk [tilespmem:v10+s4+$0x0], $0xffff  }
0x74: {  	v3 =	vmul.f32 v2, v14;
	[tilespmem:s15+$0x0] =	vst v4;
	v4 =	vmul.f32 v2, v11;
	v11 =	vld [tilespmem:s7+$0x70]  }
0x75: {  	v9 =	vld.idx.msk [tilespmem:v9+s4+$0x0], $0xffff  }
0x76: {  	[tilespmem:s17+$0x10] =	vst v3;
	v3 =	vmul.f32 v2, v8;
	v8 =	vld [tilespmem:s7+$0xFFFFFF80]  }
0x77: {  	[tilespmem:s17+$0x20] =	vst v4;
	v4 =	vmul.f32 v2, v6;
	v6 =	vld [tilespmem:s7+$0xFFFFFF90]  }
0x78: {  	[tilespmem:s17+$0x30] =	vst v3;
	v3 =	vmul.f32 v2, v7;
	v7 =	vld [tilespmem:s7+$0xFFFFFFA0]  }
0x79: {  	v2 =	vmul.f32 v2, v5;
	[tilespmem:s17+$0x40] =	vst v4;
	v4 =	vld [tilespmem:s7+$0xFFFFFFB0]  }
0x7a: {  	[tilespmem:s17+$0x50] =	vst v3;
	v3 =	vld [tilespmem:s7+$0xFFFFFFC0];
	v5 =	vmul.f32 v9, v11  }
0x7b: {  	[tilespmem:s17+$0x60] =	vst v2;
	v2 =	vmul.f32 v10, v8;
	v8 =	vld [tilespmem:s7+$0xFFFFFFD0]  }
0x7c: {  	v11 =	vld [tilespmem:s7+$0xFFFFFFE0];
	v6 =	vmul.f32 v10, v6;
	[tilespmem:s7+$0x70] =	vst v5  }
0x7d: {  	[tilespmem:s7+$0xFFFFFF80] =	vst v2;
	v2 =	vmul.f32 v10, v7;
	v5 =	vld [tilespmem:s7+$0xFFFFFFF0]  }
0x7e: {  	[tilespmem:s7+$0xFFFFFF90] =	vst v6;
	v4 =	vmul.f32 v10, v4;
	v6 =	vld [tilespmem:s7+$0x0]  }
0x7f: {  	[tilespmem:s7+$0xFFFFFFA0] =	vst v2;
	v2 =	vmul.f32 v10, v3;
	v3 =	vld [tilespmem:s7+$0x10]  }
0x80: {  	v7 =	vld [tilespmem:s7+$0x20];
	[tilespmem:s7+$0xFFFFFFB0] =	vst v4;
	v4 =	vmul.f32 v10, v8  }
0x81: {  	v8 =	vld [tilespmem:s7+$0x30];
	[tilespmem:s7+$0xFFFFFFC0] =	vst v2;
	v2 =	vmul.f32 v10, v11  }
0x82: {  	[tilespmem:s7+$0xFFFFFFD0] =	vst v4;
	v4 =	vmul.f32 v10, v5;
	v5 =	vld [tilespmem:s7+$0x40]  }
0x83: {  	[tilespmem:s7+$0xFFFFFFE0] =	vst v2;
	v2 =	vmul.f32 v9, v6;
	v6 =	vld [tilespmem:s7+$0x50]  }
0x84: {  	[tilespmem:s7+$0xFFFFFFF0] =	vst v4;
	v3 =	vmul.f32 v9, v3;
	v4 =	vld [tilespmem:s7+$0x60]  }
0x85: {  	[tilespmem:s7+$0x0] =	vst v2;
	v2 =	vmul.f32 v9, v7  }
0x86: {  	[tilespmem:s7+$0x10] =	vst v3;
	v3 =	vmul.f32 v9, v8  }
0x87: {  	[tilespmem:s7+$0x20] =	vst v2;
	v2 =	vmul.f32 v9, v5  }
0x88: {  	[tilespmem:s7+$0x30] =	vst v3;
	v3 =	vmul.f32 v9, v6  }
0x89: {  	[tilespmem:s7+$0x40] =	vst v2;
	v2 =	vmul.f32 v9, v4  }
0x8a: {  	[tilespmem:s7+$0x50] =	vst v3  }
0x8b: {  	[tilespmem:s7+$0x60] =	vst v2  }
0x8c: {  	v2 =	vld.idx.msk [tilespmem:v1+s4+$0x0], $0xffff  }
0x8d: {  	v3 =	vld [tilespmem:$0x4600]  }
0x8e: {  	v4 =	vld [tilespmem:$0x4610]  }
0x8f: {  	v5 =	vld [tilespmem:$0x4620]  }
0x90: {  	v6 =	vld [tilespmem:$0x4630]  }
0x91: {  	v7 =	vld [tilespmem:$0x4640]  }
0x92: {  	v8 =	vld [tilespmem:$0x4650];
	v3 =	vmul.f32 v2, v3  }
0x93: {  	v9 =	vld [tilespmem:$0x4660];
	v4 =	vmul.f32 v2, v4  }
0x94: {  	[tilespmem:$0x4600] =	vst v3;
	v3 =	vmul.f32 v2, v5;
	v5 =	vld [tilespmem:$0x4670]  }
0x95: {  	[tilespmem:$0x4610] =	vst v4;
	v4 =	vmul.f32 v2, v6  }
0x96: {  	[tilespmem:$0x4620] =	vst v3;
	v3 =	vmul.f32 v2, v7  }
0x97: {  	[tilespmem:$0x4630] =	vst v4;
	v4 =	vmul.f32 v2, v8  }
0x98: {  	[tilespmem:$0x4640] =	vst v3;
	v3 =	vmul.f32 v2, v9  }
0x99: {  	[tilespmem:$0x4650] =	vst v4;
	v2 =	vmul.f32 v2, v5  }
0x9a: {  	[tilespmem:$0x4660] =	vst v3  }
0x9b: {  	s24 =	simm.s32 $0x80;
	[tilespmem:$0x4670] =	vst v2  }
0x9c: {  	[spmem:s3] =	stream.indirect.scatter.add.f32 [tilespmem:s22], [sflag:$0x7], $0x80, s24, s2, $0xb8;
	[tilespmem:$0x1E880] =	vst v63  }
0x9d: {  	_ =	swait.ge [sflag:s19], $0x3E80  }
0x9e: {  	[sflag:s19] =	ssyncset.done $0x0  }
0x9f: {  	[sflag:s19] =	ssyncadd.s32 $0xFFFFC180  }
0xa0: {  	_ =	swait.ge [sflag:s8], $0x180  }
0xa1: {  	[sflag:s8] =	ssyncset.done $0x0  }
0xa2: {  	[sflag:s8] =	ssyncadd.s32 $0xFFFFFE80  }
0xa3: {  	[tilespmem:s22], [sflag:$0x1] =	stream.indirect.gather [hbm4b:s1+s21], $0x80, s29, s21, $0xb8;
	[tilespmem:$0x1E880] =	vst v63  }
0xa4: {  	s16 =	simm.s32 $0x440;
	s15 =	simm.s32 $0x2800  }
0xa5: {  	[tilespmem:s15], [sflag:$0x1] =	stream.indirect.gather [hbm4b:s1+s23], $0x80, s16, s23, $0xb8;
	[tilespmem:$0x1E880] =	vst v63  }
0xa6: {  	p1 =	seq.s32 s9, $0x13;
	s15 =	sshll.u32 s9, $0xB  }
0xa7: {  	s17 =	simm.s32 $0x0;
	s7 =	sadd.s32 @!p1 s15, s11  }
0xa8: {  	v2 =	vmov s17;
	s24 =	simm.s32 $0x1;
	s7 =	sshrl.u32 @!p1 s7, $0x3  }
0xa9: {  	s17 =	simm.s32 @!p1 $0x0;
	v2 =	vand.u32 $0x7E, v2;
	v3 =	vmov s24;
	s7 =	sadd.s32 @!p1 s5, s7  }
0xaa: {  	v2 =	vor.u32 $0x100, v2;
	v3 =	vand.u32 $0x7F, v3;
	[tilespmem:s17], [sflag:$0x3] =	stream.linear.gather @!p1 [hbm4b:s7+s17], $0x180, $0x38;
	[tilespmem:$0x1E880] =	vst v63  }
0xab: {  	v2 =	vbroadcast v2, $0x0;
	v3 =	vor.u32 $0x100, v3;
	_ =	swait.ge [sflag:s10], $0x2000  }
0xac: {  	v4 =	vbroadcast v3, $0x0;
	[sflag:s10] =	ssyncset.done $0x0  }
0xad: {  	[sflag:s10] =	ssyncadd.s32 $0xFFFFE000  }
0xae: {  	_ =	swait.ge [sflag:s10], $0x1E80  }
0xaf: {  	[sflag:s10] =	ssyncset.done $0x0  }
0xb0: {  	[sflag:s10] =	ssyncadd.s32 $0xFFFFE180  }
0xb1: {  	v3 =	vld.idx.msk [tilespmem:v2+s20+$0x0], $0xffff  }
0xb2: {  	s17 =	simm.s32 $0x4880;
	v2 =	vld.idx.msk [tilespmem:v4+s20+$0x0], $0xffff  }
0xb3: {  	v5 =	vld [tilespmem:s17+$0x70]  }
0xb4: {  	v7 =	vld [tilespmem:s17+$0xFFFFFF80]  }
0xb5: {  	v9 =	vld [tilespmem:s17+$0xFFFFFF90]  }
0xb6: {  	v8 =	vld [tilespmem:s17+$0xFFFFFFA0]  }
0xb7: {  	v6 =	vld [tilespmem:s17+$0xFFFFFFB0]  }
0xb8: {  	v4 =	vld [tilespmem:s17+$0xFFFFFFC0];
	v63 =	vmul.f32 v2, v5  }
0xb9: {  	s24 =	simm.s32 $0x2;
	v5 =	vld [tilespmem:s17+$0xFFFFFFD0];
	v10 =	vmul.f32 v3, v7  }
0xba: {  	v11 =	vmov s24;
	s24 =	simm.s32 $0x3;
	s16 =	simm.s32 $0x4;
	s7 =	simm.s32 $0x4880;
	v9 =	vmul.f32 v3, v9;
	v7 =	vld [tilespmem:s17+$0xFFFFFFE0];
	[tilespmem:s17+$0x70] =	vst v63  }
.LBB2_9:
0xbb: {  	p2 =	slt.u32 s16, $0x7A;
	v11 =	vand.u32 $0x7E, v11;
	v12 =	vmov s24;
	[tilespmem:s17+$0xFFFFFF80] =	vst v10;
	v8 =	vmul.f32 v3, v8;
	v10 =	vld [tilespmem:s17+$0xFFFFFFF0]  }
0xbc: {  	v11 =	vor.u32 $0x100, v11;
	v12 =	vand.u32 $0x7F, v12;
	[tilespmem:s17+$0xFFFFFF90] =	vst v9;
	v6 =	vmul.f32 v3, v6;
	v9 =	vld [tilespmem:s17+$0x0]  }
0xbd: {  	v11 =	vbroadcast v11, $0x0;
	v12 =	vor.u32 $0x100, v12;
	[tilespmem:s17+$0xFFFFFFA0] =	vst v8;
	v4 =	vmul.f32 v3, v4;
	v8 =	vld [tilespmem:s17+$0x10]  }
0xbe: {  	v12 =	vbroadcast v12, $0x0;
	[tilespmem:s17+$0xFFFFFFB0] =	vst v6;
	v5 =	vmul.f32 v3, v5;
	v6 =	vld [tilespmem:s17+$0x20]  }
0xbf: {  	[tilespmem:s17+$0xFFFFFFC0] =	vst v4;
	v4 =	vmul.f32 v3, v7;
	v7 =	vld [tilespmem:s17+$0x30]  }
0xc0: {  	[tilespmem:s17+$0xFFFFFFD0] =	vst v5;
	v3 =	vmul.f32 v3, v10;
	v5 =	vld [tilespmem:s17+$0x40]  }
0xc1: {  	[tilespmem:s17+$0xFFFFFFE0] =	vst v4;
	v4 =	vmul.f32 v2, v9;
	v9 =	vld [tilespmem:s17+$0x50]  }
0xc2: {  	[tilespmem:s17+$0xFFFFFFF0] =	vst v3;
	v8 =	vmul.f32 v2, v8;
	v10 =	vld [tilespmem:s17+$0x60]  }
0xc3: {  	v3 =	vld.idx.msk [tilespmem:v11+s20+$0x0], $0xffff;
	[tilespmem:s17+$0x0] =	vst v4;
	v4 =	vmul.f32 v2, v6  }
0xc4: {  	s17 =	sadd.s32 $0x100, s17;
	v11 =	vld.idx.msk [tilespmem:v12+s20+$0x0], $0xffff;
	[tilespmem:s7+$0x10] =	vst v8;
	v6 =	vmul.f32 v2, v7  }
0xc5: {  	v7 =	vld [tilespmem:s17+$0x70];
	[tilespmem:s7+$0x20] =	vst v4;
	v4 =	vmul.f32 v2, v5  }
0xc6: {  	v5 =	vld [tilespmem:s17+$0xFFFFFF80];
	[tilespmem:s7+$0x30] =	vst v6;
	v6 =	vmul.f32 v2, v9  }
0xc7: {  	v9 =	vld [tilespmem:s17+$0xFFFFFF90];
	[tilespmem:s7+$0x40] =	vst v4;
	v10 =	vmul.f32 v2, v10  }
.Ltmp4:
0xc8: {  	v8 =	vld [tilespmem:s17+$0xFFFFFFA0];
	[tilespmem:s7+$0x50] =	vst v6;
	(pc) =	sbr.rel @p2 .LBB2_9-.Ltmp4, $4  }
0xc9: {  	v6 =	vld [tilespmem:s17+$0xFFFFFFB0];
	[tilespmem:s7+$0x60] =	vst v10;
	s7 =	smov.u32 s17  }
0xca: {  	v2 =	vmov v11;
	v4 =	vld [tilespmem:s17+$0xFFFFFFC0];
	v12 =	vmul.f32 v11, v7  }
0xcb: {  	v10 =	vmul.f32 v3, v5;
	v5 =	vld [tilespmem:s17+$0xFFFFFFD0]  }
0xcc: {  	s24 =	sadd.s32 $0x1, s16;
	v11 =	vmov s16;
	s16 =	sadd.s32 $0x2, s16;
	v9 =	vmul.f32 v3, v9;
	v7 =	vld [tilespmem:s17+$0xFFFFFFE0];
	[tilespmem:s17+$0x70] =	vst v12  }
0xcd: {  	[tilespmem:s17+$0xFFFFFF80] =	vst v10;
	v10 =	vand.u32 $0x7E, v11;
	v12 =	vld [tilespmem:s17+$0xFFFFFFF0]  }
0xce: {  	v11 =	vmov s24;
	v13 =	vld [tilespmem:s17+$0x0];
	v8 =	vmul.f32 v3, v8;
	v10 =	vor.u32 $0x100, v10  }
0xcf: {  	v14 =	vld [tilespmem:s17+$0x10];
	v11 =	vand.u32 $0x7F, v11;
	[tilespmem:s17+$0xFFFFFF90] =	vst v9;
	v6 =	vmul.f32 v3, v6;
	v10 =	vbroadcast v10, $0x0  }
0xd0: {  	v11 =	vor.u32 $0x100, v11;
	[tilespmem:s17+$0xFFFFFFA0] =	vst v8;
	v4 =	vmul.f32 v3, v4;
	v8 =	vld [tilespmem:s17+$0x30]  }
0xd1: {  	v9 =	vbroadcast v11, $0x0;
	v11 =	vld [tilespmem:s17+$0x20];
	[tilespmem:s17+$0xFFFFFFB0] =	vst v6;
	v5 =	vmul.f32 v3, v5  }
0xd2: {  	v6 =	vld [tilespmem:s17+$0x40];
	[tilespmem:s17+$0xFFFFFFC0] =	vst v4;
	v4 =	vmul.f32 v3, v7  }
0xd3: {  	v7 =	vld [tilespmem:s17+$0x50];
	[tilespmem:s17+$0xFFFFFFD0] =	vst v5;
	v3 =	vmul.f32 v3, v12  }
0xd4: {  	v5 =	vld [tilespmem:s17+$0x60];
	[tilespmem:s17+$0xFFFFFFE0] =	vst v4;
	v4 =	vmul.f32 v2, v13  }
0xd5: {  	s16 =	sadd.s32 $0x100, s17;
	[tilespmem:s17+$0xFFFFFFF0] =	vst v3;
	v10 =	vld.idx.msk [tilespmem:v10+s20+$0x0], $0xffff  }
0xd6: {  	v3 =	vmul.f32 v2, v14;
	[tilespmem:s17+$0x0] =	vst v4;
	v4 =	vmul.f32 v2, v11;
	v11 =	vld [tilespmem:s16+$0x70]  }
0xd7: {  	v9 =	vld.idx.msk [tilespmem:v9+s20+$0x0], $0xffff  }
0xd8: {  	[tilespmem:s7+$0x10] =	vst v3;
	v3 =	vmul.f32 v2, v8;
	v8 =	vld [tilespmem:s16+$0xFFFFFF80]  }
0xd9: {  	[tilespmem:s7+$0x20] =	vst v4;
	v4 =	vmul.f32 v2, v6;
	v6 =	vld [tilespmem:s16+$0xFFFFFF90]  }
0xda: {  	[tilespmem:s7+$0x30] =	vst v3;
	v3 =	vmul.f32 v2, v7;
	v7 =	vld [tilespmem:s16+$0xFFFFFFA0]  }
0xdb: {  	v2 =	vmul.f32 v2, v5;
	[tilespmem:s7+$0x40] =	vst v4;
	v4 =	vld [tilespmem:s16+$0xFFFFFFB0]  }
0xdc: {  	[tilespmem:s7+$0x50] =	vst v3;
	v3 =	vld [tilespmem:s16+$0xFFFFFFC0];
	v5 =	vmul.f32 v9, v11  }
0xdd: {  	[tilespmem:s7+$0x60] =	vst v2;
	v2 =	vmul.f32 v10, v8;
	v8 =	vld [tilespmem:s16+$0xFFFFFFD0]  }
0xde: {  	v11 =	vld [tilespmem:s16+$0xFFFFFFE0];
	v6 =	vmul.f32 v10, v6;
	[tilespmem:s16+$0x70] =	vst v5  }
0xdf: {  	[tilespmem:s16+$0xFFFFFF80] =	vst v2;
	v2 =	vmul.f32 v10, v7;
	v5 =	vld [tilespmem:s16+$0xFFFFFFF0]  }
0xe0: {  	[tilespmem:s16+$0xFFFFFF90] =	vst v6;
	v4 =	vmul.f32 v10, v4;
	v6 =	vld [tilespmem:s16+$0x0]  }
0xe1: {  	[tilespmem:s16+$0xFFFFFFA0] =	vst v2;
	v2 =	vmul.f32 v10, v3;
	v3 =	vld [tilespmem:s16+$0x10]  }
0xe2: {  	v7 =	vld [tilespmem:s16+$0x20];
	[tilespmem:s16+$0xFFFFFFB0] =	vst v4;
	v4 =	vmul.f32 v10, v8  }
0xe3: {  	v8 =	vld [tilespmem:s16+$0x30];
	[tilespmem:s16+$0xFFFFFFC0] =	vst v2;
	v2 =	vmul.f32 v10, v11  }
0xe4: {  	[tilespmem:s16+$0xFFFFFFD0] =	vst v4;
	v4 =	vmul.f32 v10, v5;
	v5 =	vld [tilespmem:s16+$0x40]  }
0xe5: {  	[tilespmem:s16+$0xFFFFFFE0] =	vst v2;
	v2 =	vmul.f32 v9, v6;
	v6 =	vld [tilespmem:s16+$0x50]  }
0xe6: {  	[tilespmem:s16+$0xFFFFFFF0] =	vst v4;
	v3 =	vmul.f32 v9, v3;
	v4 =	vld [tilespmem:s16+$0x60]  }
0xe7: {  	[tilespmem:s16+$0x0] =	vst v2;
	v2 =	vmul.f32 v9, v7  }
0xe8: {  	[tilespmem:s16+$0x10] =	vst v3;
	v3 =	vmul.f32 v9, v8  }
0xe9: {  	[tilespmem:s16+$0x20] =	vst v2;
	v2 =	vmul.f32 v9, v5  }
0xea: {  	[tilespmem:s16+$0x30] =	vst v3;
	v3 =	vmul.f32 v9, v6  }
0xeb: {  	[tilespmem:s16+$0x40] =	vst v2;
	v2 =	vmul.f32 v9, v4  }
0xec: {  	[tilespmem:s16+$0x50] =	vst v3  }
0xed: {  	[tilespmem:s16+$0x60] =	vst v2  }
0xee: {  	v2 =	vld.idx.msk [tilespmem:v1+s20+$0x0], $0xffff  }
0xef: {  	v3 =	vld [tilespmem:$0x8600]  }
0xf0: {  	v4 =	vld [tilespmem:$0x8610]  }
0xf1: {  	v5 =	vld [tilespmem:$0x8620]  }
0xf2: {  	v6 =	vld [tilespmem:$0x8630]  }
0xf3: {  	v7 =	vld [tilespmem:$0x8640]  }
0xf4: {  	v8 =	vld [tilespmem:$0x8650];
	v3 =	vmul.f32 v2, v3  }
0xf5: {  	v9 =	vld [tilespmem:$0x8660];
	v4 =	vmul.f32 v2, v4  }
0xf6: {  	[tilespmem:$0x8600] =	vst v3;
	v3 =	vmul.f32 v2, v5;
	v5 =	vld [tilespmem:$0x8670]  }
0xf7: {  	[tilespmem:$0x8610] =	vst v4;
	v4 =	vmul.f32 v2, v6  }
0xf8: {  	[tilespmem:$0x8620] =	vst v3;
	v3 =	vmul.f32 v2, v7  }
0xf9: {  	[tilespmem:$0x8630] =	vst v4;
	v4 =	vmul.f32 v2, v8  }
0xfa: {  	[tilespmem:$0x8640] =	vst v3;
	v3 =	vmul.f32 v2, v9  }
0xfb: {  	[tilespmem:$0x8650] =	vst v4;
	v2 =	vmul.f32 v2, v5  }
0xfc: {  	[tilespmem:$0x8660] =	vst v3  }
0xfd: {  	s24 =	simm.s32 $0x280;
	[tilespmem:$0x8670] =	vst v2  }
0xfe: {  	[spmem:s3] =	stream.indirect.scatter.add.f32 [tilespmem:s25], [sflag:$0x7], $0x80, s24, s2, $0xb8;
	[tilespmem:$0x1E880] =	vst v63  }
0xff: {  	_ =	swait.ge [sflag:s19], $0x3E80  }
0x100: {  	[sflag:s19] =	ssyncset.done $0x0  }
0x101: {  	[sflag:s19] =	ssyncadd.s32 $0xFFFFC180  }
0x102: {  	_ =	swait.ge [sflag:s6], $0x180  }
0x103: {  	s7 =	sadd.s32 @!p1 s15, s12;
	[sflag:s6] =	ssyncset.done $0x0  }
0x104: {  	s7 =	sshrl.u32 @!p1 s7, $0x3;
	[sflag:s6] =	ssyncadd.s32 $0xFFFFFE80  }
0x105: {  	[tilespmem:s25], [sflag:$0x2] =	stream.indirect.gather [hbm4b:s1+s21], $0x80, s30, s21, $0xb8;
	[tilespmem:$0x1E880] =	vst v63  }
0x106: {  	s17 =	simm.s32 $0x0;
	s7 =	sadd.s32 @!p1 s5, s7;
	s16 =	simm.s32 $0x640  }
0x107: {  	v2 =	vmov s17;
	[tilespmem:s28], [sflag:$0x2] =	stream.indirect.gather [hbm4b:s1+s23], $0x80, s16, s23, $0xb8;
	[tilespmem:$0x1E880] =	vst v63  }
0x108: {  	s17 =	simm.s32 @!p1 $0x0;
	s24 =	simm.s32 @!p1 $0x200;
	v2 =	vand.u32 $0x7E, v2;
	s16 =	simm.s32 $0x1  }
0x109: {  	v2 =	vor.u32 $0x100, v2;
	v3 =	vmov s16;
	[tilespmem:s24], [sflag:$0x4] =	stream.linear.gather @!p1 [hbm4b:s7+s17], $0x180, $0x38;
	[tilespmem:$0x1E880] =	vst v63  }
0x10a: {  	v2 =	vbroadcast v2, $0x0;
	v3 =	vand.u32 $0x7F, v3;
	_ =	swait.ge [sflag:s31], $0x2000  }
0x10b: {  	v3 =	vor.u32 $0x100, v3;
	[sflag:s31] =	ssyncset.done $0x0  }
0x10c: {  	v4 =	vbroadcast v3, $0x0;
	[sflag:s31] =	ssyncadd.s32 $0xFFFFE000  }
0x10d: {  	_ =	swait.ge [sflag:s31], $0x1E80  }
0x10e: {  	[sflag:s31] =	ssyncset.done $0x0  }
0x10f: {  	[sflag:s31] =	ssyncadd.s32 $0xFFFFE180  }
0x110: {  	s17 =	simm.s32 $0x880;
	v3 =	vld.idx.msk [tilespmem:v2+s29+$0x0], $0xffff  }
0x111: {  	v5 =	vld [tilespmem:s17+$0x70]  }
0x112: {  	v2 =	vld.idx.msk [tilespmem:v4+s29+$0x0], $0xffff  }
0x113: {  	v7 =	vld [tilespmem:s17+$0xFFFFFF80]  }
0x114: {  	v9 =	vld [tilespmem:s17+$0xFFFFFF90]  }
0x115: {  	v8 =	vld [tilespmem:s17+$0xFFFFFFA0]  }
0x116: {  	v6 =	vld [tilespmem:s17+$0xFFFFFFB0]  }
0x117: {  	v4 =	vld [tilespmem:s17+$0xFFFFFFC0];
	v63 =	vmul.f32 v2, v5  }
0x118: {  	s24 =	simm.s32 $0x2;
	v10 =	vmul.f32 v3, v7;
	v5 =	vld [tilespmem:s17+$0xFFFFFFD0]  }
0x119: {  	s16 =	simm.s32 $0x4;
	s7 =	simm.s32 $0x880;
	v11 =	vmov s24;
	s24 =	simm.s32 $0x3;
	v9 =	vmul.f32 v3, v9;
	v7 =	vld [tilespmem:s17+$0xFFFFFFE0];
	[tilespmem:s17+$0x70] =	vst v63  }
.LBB2_11:
0x11a: {  	p2 =	slt.u32 s16, $0x7A;
	v11 =	vand.u32 $0x7E, v11;
	v12 =	vmov s24;
	[tilespmem:s17+$0xFFFFFF80] =	vst v10;
	v8 =	vmul.f32 v3, v8;
	v10 =	vld [tilespmem:s17+$0xFFFFFFF0]  }
0x11b: {  	v11 =	vor.u32 $0x100, v11;
	v12 =	vand.u32 $0x7F, v12;
	[tilespmem:s17+$0xFFFFFF90] =	vst v9;
	v6 =	vmul.f32 v3, v6;
	v9 =	vld [tilespmem:s17+$0x0]  }
0x11c: {  	v11 =	vbroadcast v11, $0x0;
	v12 =	vor.u32 $0x100, v12;
	[tilespmem:s17+$0xFFFFFFA0] =	vst v8;
	v4 =	vmul.f32 v3, v4;
	v8 =	vld [tilespmem:s17+$0x10]  }
0x11d: {  	v12 =	vbroadcast v12, $0x0;
	[tilespmem:s17+$0xFFFFFFB0] =	vst v6;
	v5 =	vmul.f32 v3, v5;
	v6 =	vld [tilespmem:s17+$0x20]  }
0x11e: {  	[tilespmem:s17+$0xFFFFFFC0] =	vst v4;
	v4 =	vmul.f32 v3, v7;
	v7 =	vld [tilespmem:s17+$0x30]  }
0x11f: {  	[tilespmem:s17+$0xFFFFFFD0] =	vst v5;
	v3 =	vmul.f32 v3, v10;
	v5 =	vld [tilespmem:s17+$0x40]  }
0x120: {  	[tilespmem:s17+$0xFFFFFFE0] =	vst v4;
	v4 =	vmul.f32 v2, v9;
	v9 =	vld [tilespmem:s17+$0x50]  }
0x121: {  	[tilespmem:s17+$0xFFFFFFF0] =	vst v3;
	v8 =	vmul.f32 v2, v8;
	v10 =	vld [tilespmem:s17+$0x60]  }
0x122: {  	v3 =	vld.idx.msk [tilespmem:v11+s29+$0x0], $0xffff;
	[tilespmem:s17+$0x0] =	vst v4;
	v4 =	vmul.f32 v2, v6  }
0x123: {  	s17 =	sadd.s32 $0x100, s17;
	v11 =	vld.idx.msk [tilespmem:v12+s29+$0x0], $0xffff;
	[tilespmem:s7+$0x10] =	vst v8;
	v6 =	vmul.f32 v2, v7  }
0x124: {  	v7 =	vld [tilespmem:s17+$0x70];
	[tilespmem:s7+$0x20] =	vst v4;
	v4 =	vmul.f32 v2, v5  }
0x125: {  	v5 =	vld [tilespmem:s17+$0xFFFFFF80];
	[tilespmem:s7+$0x30] =	vst v6;
	v6 =	vmul.f32 v2, v9  }
0x126: {  	v9 =	vld [tilespmem:s17+$0xFFFFFF90];
	[tilespmem:s7+$0x40] =	vst v4;
	v10 =	vmul.f32 v2, v10  }
.Ltmp5:
0x127: {  	v8 =	vld [tilespmem:s17+$0xFFFFFFA0];
	[tilespmem:s7+$0x50] =	vst v6;
	(pc) =	sbr.rel @p2 .LBB2_11-.Ltmp5, $4  }
0x128: {  	v6 =	vld [tilespmem:s17+$0xFFFFFFB0];
	[tilespmem:s7+$0x60] =	vst v10;
	s7 =	smov.u32 s17  }
0x129: {  	v2 =	vmov v11;
	v4 =	vld [tilespmem:s17+$0xFFFFFFC0];
	v12 =	vmul.f32 v11, v7  }
0x12a: {  	v10 =	vmul.f32 v3, v5;
	v5 =	vld [tilespmem:s17+$0xFFFFFFD0]  }
0x12b: {  	s24 =	sadd.s32 $0x1, s16;
	v11 =	vmov s16;
	s16 =	sadd.s32 $0x2, s16;
	v9 =	vmul.f32 v3, v9;
	v7 =	vld [tilespmem:s17+$0xFFFFFFE0];
	[tilespmem:s17+$0x70] =	vst v12  }
0x12c: {  	[tilespmem:s17+$0xFFFFFF80] =	vst v10;
	v10 =	vand.u32 $0x7E, v11;
	v12 =	vld [tilespmem:s17+$0xFFFFFFF0]  }
0x12d: {  	v11 =	vmov s24;
	v13 =	vld [tilespmem:s17+$0x0];
	v8 =	vmul.f32 v3, v8;
	v10 =	vor.u32 $0x100, v10  }
0x12e: {  	v14 =	vld [tilespmem:s17+$0x10];
	v11 =	vand.u32 $0x7F, v11;
	[tilespmem:s17+$0xFFFFFF90] =	vst v9;
	v6 =	vmul.f32 v3, v6;
	v10 =	vbroadcast v10, $0x0  }
0x12f: {  	v11 =	vor.u32 $0x100, v11;
	[tilespmem:s17+$0xFFFFFFA0] =	vst v8;
	v4 =	vmul.f32 v3, v4;
	v8 =	vld [tilespmem:s17+$0x30]  }
0x130: {  	v9 =	vbroadcast v11, $0x0;
	v11 =	vld [tilespmem:s17+$0x20];
	[tilespmem:s17+$0xFFFFFFB0] =	vst v6;
	v5 =	vmul.f32 v3, v5  }
0x131: {  	v6 =	vld [tilespmem:s17+$0x40];
	[tilespmem:s17+$0xFFFFFFC0] =	vst v4;
	v4 =	vmul.f32 v3, v7  }
0x132: {  	v7 =	vld [tilespmem:s17+$0x50];
	[tilespmem:s17+$0xFFFFFFD0] =	vst v5;
	v3 =	vmul.f32 v3, v12  }
0x133: {  	v5 =	vld [tilespmem:s17+$0x60];
	[tilespmem:s17+$0xFFFFFFE0] =	vst v4;
	v4 =	vmul.f32 v2, v13  }
0x134: {  	s16 =	sadd.s32 $0x100, s17;
	[tilespmem:s17+$0xFFFFFFF0] =	vst v3;
	v10 =	vld.idx.msk [tilespmem:v10+s29+$0x0], $0xffff  }
0x135: {  	v3 =	vmul.f32 v2, v14;
	[tilespmem:s17+$0x0] =	vst v4;
	v4 =	vmul.f32 v2, v11;
	v11 =	vld [tilespmem:s16+$0x70]  }
0x136: {  	v9 =	vld.idx.msk [tilespmem:v9+s29+$0x0], $0xffff  }
0x137: {  	[tilespmem:s7+$0x10] =	vst v3;
	v3 =	vmul.f32 v2, v8;
	v8 =	vld [tilespmem:s16+$0xFFFFFF80]  }
0x138: {  	[tilespmem:s7+$0x20] =	vst v4;
	v4 =	vmul.f32 v2, v6;
	v6 =	vld [tilespmem:s16+$0xFFFFFF90]  }
0x139: {  	[tilespmem:s7+$0x30] =	vst v3;
	v3 =	vmul.f32 v2, v7;
	v7 =	vld [tilespmem:s16+$0xFFFFFFA0]  }
0x13a: {  	v2 =	vmul.f32 v2, v5;
	[tilespmem:s7+$0x40] =	vst v4;
	v4 =	vld [tilespmem:s16+$0xFFFFFFB0]  }
0x13b: {  	[tilespmem:s7+$0x50] =	vst v3;
	v3 =	vld [tilespmem:s16+$0xFFFFFFC0];
	v5 =	vmul.f32 v9, v11  }
0x13c: {  	[tilespmem:s7+$0x60] =	vst v2;
	v2 =	vmul.f32 v10, v8;
	v8 =	vld [tilespmem:s16+$0xFFFFFFD0]  }
0x13d: {  	v11 =	vld [tilespmem:s16+$0xFFFFFFE0];
	v6 =	vmul.f32 v10, v6;
	[tilespmem:s16+$0x70] =	vst v5  }
0x13e: {  	[tilespmem:s16+$0xFFFFFF80] =	vst v2;
	v2 =	vmul.f32 v10, v7;
	v5 =	vld [tilespmem:s16+$0xFFFFFFF0]  }
0x13f: {  	[tilespmem:s16+$0xFFFFFF90] =	vst v6;
	v4 =	vmul.f32 v10, v4;
	v6 =	vld [tilespmem:s16+$0x0]  }
0x140: {  	[tilespmem:s16+$0xFFFFFFA0] =	vst v2;
	v2 =	vmul.f32 v10, v3;
	v3 =	vld [tilespmem:s16+$0x10]  }
0x141: {  	v7 =	vld [tilespmem:s16+$0x20];
	[tilespmem:s16+$0xFFFFFFB0] =	vst v4;
	v4 =	vmul.f32 v10, v8  }
0x142: {  	v8 =	vld [tilespmem:s16+$0x30];
	[tilespmem:s16+$0xFFFFFFC0] =	vst v2;
	v2 =	vmul.f32 v10, v11  }
0x143: {  	[tilespmem:s16+$0xFFFFFFD0] =	vst v4;
	v4 =	vmul.f32 v10, v5;
	v5 =	vld [tilespmem:s16+$0x40]  }
0x144: {  	[tilespmem:s16+$0xFFFFFFE0] =	vst v2;
	v2 =	vmul.f32 v9, v6;
	v6 =	vld [tilespmem:s16+$0x50]  }
0x145: {  	[tilespmem:s16+$0xFFFFFFF0] =	vst v4;
	v3 =	vmul.f32 v9, v3;
	v4 =	vld [tilespmem:s16+$0x60]  }
0x146: {  	[tilespmem:s16+$0x0] =	vst v2;
	v2 =	vmul.f32 v9, v7  }
0x147: {  	[tilespmem:s16+$0x10] =	vst v3;
	v3 =	vmul.f32 v9, v8  }
0x148: {  	[tilespmem:s16+$0x20] =	vst v2;
	v2 =	vmul.f32 v9, v5  }
0x149: {  	[tilespmem:s16+$0x30] =	vst v3;
	v3 =	vmul.f32 v9, v6  }
0x14a: {  	[tilespmem:s16+$0x40] =	vst v2;
	v2 =	vmul.f32 v9, v4  }
0x14b: {  	[tilespmem:s16+$0x50] =	vst v3  }
0x14c: {  	[tilespmem:s16+$0x60] =	vst v2  }
0x14d: {  	v2 =	vld.idx.msk [tilespmem:v1+s29+$0x0], $0xffff  }
0x14e: {  	v3 =	vld [tilespmem:$0x4600]  }
0x14f: {  	v4 =	vld [tilespmem:$0x4610]  }
0x150: {  	v5 =	vld [tilespmem:$0x4620]  }
0x151: {  	v6 =	vld [tilespmem:$0x4630]  }
0x152: {  	v7 =	vld [tilespmem:$0x4640]  }
0x153: {  	v8 =	vld [tilespmem:$0x4650];
	v3 =	vmul.f32 v2, v3  }
0x154: {  	v9 =	vld [tilespmem:$0x4660];
	v4 =	vmul.f32 v2, v4  }
0x155: {  	[tilespmem:$0x4600] =	vst v3;
	v3 =	vmul.f32 v2, v5;
	v5 =	vld [tilespmem:$0x4670]  }
0x156: {  	[tilespmem:$0x4610] =	vst v4;
	v4 =	vmul.f32 v2, v6  }
0x157: {  	[tilespmem:$0x4620] =	vst v3;
	v3 =	vmul.f32 v2, v7  }
0x158: {  	[tilespmem:$0x4630] =	vst v4;
	v4 =	vmul.f32 v2, v8  }
0x159: {  	[tilespmem:$0x4640] =	vst v3;
	v3 =	vmul.f32 v2, v9  }
0x15a: {  	[tilespmem:$0x4650] =	vst v4;
	v2 =	vmul.f32 v2, v5  }
0x15b: {  	[tilespmem:$0x4660] =	vst v3  }
0x15c: {  	s17 =	simm.s32 $0x480;
	[tilespmem:$0x4670] =	vst v2  }
0x15d: {  	[spmem:s3] =	stream.indirect.scatter.add.f32 [tilespmem:s22], [sflag:$0x7], $0x80, s17, s2, $0xb8;
	[tilespmem:$0x1E880] =	vst v63  }
0x15e: {  	_ =	swait.ge [sflag:s19], $0x3E80  }
0x15f: {  	[sflag:s19] =	ssyncset.done $0x0  }
0x160: {  	s7 =	simm.s32 @!p1 $0x3;
	[sflag:s19] =	ssyncadd.s32 $0xFFFFC180  }
0x161: {  	_ =	swait.ge @!p1 [sflag:s7], $0x180  }
0x162: {  	s16 =	simm.s32 @!p1 $0x0;
	[sflag:s7] =	ssyncset.done @!p1 $0x0  }
0x163: {  	s17 =	simm.s32 @!p1 $0x800;
	[sflag:s7] =	ssyncadd.s32 @!p1 $0xFFFFFE80;
	s7 =	simm.s32 @!p1 $0x40  }
0x164: {  	[tilespmem:s17], [sflag:$0x1] =	stream.indirect.gather @!p1 [hbm4b:s1+s7], $0x80, s16, s7, $0xb8;
	[tilespmem:$0x1E880] =	vst v63  }
0x165: {  	s24 =	simm.s32 @!p1 $0x2800;
	s17 =	simm.s32 @!p1 $0x3D  }
0x166: {  	[tilespmem:s24], [sflag:$0x1] =	stream.indirect.gather @!p1 [hbm4b:s1+s17], $0x80, s7, s17, $0xb8;
	[tilespmem:$0x1E880] =	vst v63  }
0x167: {  	s7 =	sadd.s32 @!p1 s15, s13;
	s24 =	simm.s32 $0x0  }
0x168: {  	s17 =	simm.s32 $0x1;
	s7 =	sshrl.u32 @!p1 s7, $0x3;
	v2 =	vmov s24  }
0x169: {  	s24 =	simm.s32 @!p1 $0x400;
	v3 =	vmov s17;
	s7 =	sadd.s32 @!p1 s5, s7;
	v2 =	vand.u32 $0x7E, v2  }
0x16a: {  	v3 =	vand.u32 $0x7F, v3;
	[tilespmem:s24], [sflag:$0x5] =	stream.linear.gather @!p1 [hbm4b:s7+s16], $0x180, $0x38;
	v2 =	vor.u32 $0x100, v2;
	[tilespmem:$0x1E880] =	vst v63  }
0x16b: {  	v3 =	vor.u32 $0x100, v3;
	_ =	swait.ge [sflag:s10], $0x2000;
	v2 =	vbroadcast v2, $0x0  }
0x16c: {  	v4 =	vbroadcast v3, $0x0;
	[sflag:s10] =	ssyncset.done $0x0  }
0x16d: {  	[sflag:s10] =	ssyncadd.s32 $0xFFFFE000  }
0x16e: {  	_ =	swait.ge [sflag:s10], $0x1E80  }
0x16f: {  	[sflag:s10] =	ssyncset.done $0x0  }
0x170: {  	[sflag:s10] =	ssyncadd.s32 $0xFFFFE180  }
0x171: {  	v3 =	vld.idx.msk [tilespmem:v2+s30+$0x0], $0xffff  }
0x172: {  	s17 =	simm.s32 $0x4880;
	v2 =	vld.idx.msk [tilespmem:v4+s30+$0x0], $0xffff  }
0x173: {  	v5 =	vld [tilespmem:s17+$0x70]  }
0x174: {  	v7 =	vld [tilespmem:s17+$0xFFFFFF80]  }
0x175: {  	v9 =	vld [tilespmem:s17+$0xFFFFFF90]  }
0x176: {  	v8 =	vld [tilespmem:s17+$0xFFFFFFA0]  }
0x177: {  	v6 =	vld [tilespmem:s17+$0xFFFFFFB0]  }
0x178: {  	v4 =	vld [tilespmem:s17+$0xFFFFFFC0];
	v63 =	vmul.f32 v2, v5  }
0x179: {  	s24 =	simm.s32 $0x2;
	v5 =	vld [tilespmem:s17+$0xFFFFFFD0];
	v10 =	vmul.f32 v3, v7  }
0x17a: {  	s16 =	simm.s32 $0x4;
	s7 =	simm.s32 $0x4880;
	v11 =	vmov s24;
	s24 =	simm.s32 $0x3;
	v9 =	vmul.f32 v3, v9;
	v7 =	vld [tilespmem:s17+$0xFFFFFFE0];
	[tilespmem:s17+$0x70] =	vst v63  }
.LBB2_13:
0x17b: {  	p2 =	slt.u32 s16, $0x7A;
	v11 =	vand.u32 $0x7E, v11;
	v12 =	vmov s24;
	[tilespmem:s17+$0xFFFFFF80] =	vst v10;
	v8 =	vmul.f32 v3, v8;
	v10 =	vld [tilespmem:s17+$0xFFFFFFF0]  }
0x17c: {  	v11 =	vor.u32 $0x100, v11;
	v12 =	vand.u32 $0x7F, v12;
	[tilespmem:s17+$0xFFFFFF90] =	vst v9;
	v6 =	vmul.f32 v3, v6;
	v9 =	vld [tilespmem:s17+$0x0]  }
0x17d: {  	v11 =	vbroadcast v11, $0x0;
	v12 =	vor.u32 $0x100, v12;
	[tilespmem:s17+$0xFFFFFFA0] =	vst v8;
	v4 =	vmul.f32 v3, v4;
	v8 =	vld [tilespmem:s17+$0x10]  }
0x17e: {  	v12 =	vbroadcast v12, $0x0;
	[tilespmem:s17+$0xFFFFFFB0] =	vst v6;
	v5 =	vmul.f32 v3, v5;
	v6 =	vld [tilespmem:s17+$0x20]  }
0x17f: {  	[tilespmem:s17+$0xFFFFFFC0] =	vst v4;
	v4 =	vmul.f32 v3, v7;
	v7 =	vld [tilespmem:s17+$0x30]  }
0x180: {  	[tilespmem:s17+$0xFFFFFFD0] =	vst v5;
	v3 =	vmul.f32 v3, v10;
	v5 =	vld [tilespmem:s17+$0x40]  }
0x181: {  	[tilespmem:s17+$0xFFFFFFE0] =	vst v4;
	v4 =	vmul.f32 v2, v9;
	v9 =	vld [tilespmem:s17+$0x50]  }
0x182: {  	[tilespmem:s17+$0xFFFFFFF0] =	vst v3;
	v8 =	vmul.f32 v2, v8;
	v10 =	vld [tilespmem:s17+$0x60]  }
0x183: {  	v3 =	vld.idx.msk [tilespmem:v11+s30+$0x0], $0xffff;
	[tilespmem:s17+$0x0] =	vst v4;
	v4 =	vmul.f32 v2, v6  }
0x184: {  	s17 =	sadd.s32 $0x100, s17;
	v11 =	vld.idx.msk [tilespmem:v12+s30+$0x0], $0xffff;
	[tilespmem:s7+$0x10] =	vst v8;
	v6 =	vmul.f32 v2, v7  }
0x185: {  	v7 =	vld [tilespmem:s17+$0x70];
	[tilespmem:s7+$0x20] =	vst v4;
	v4 =	vmul.f32 v2, v5  }
0x186: {  	v5 =	vld [tilespmem:s17+$0xFFFFFF80];
	[tilespmem:s7+$0x30] =	vst v6;
	v6 =	vmul.f32 v2, v9  }
0x187: {  	v9 =	vld [tilespmem:s17+$0xFFFFFF90];
	[tilespmem:s7+$0x40] =	vst v4;
	v10 =	vmul.f32 v2, v10  }
.Ltmp6:
0x188: {  	v8 =	vld [tilespmem:s17+$0xFFFFFFA0];
	[tilespmem:s7+$0x50] =	vst v6;
	(pc) =	sbr.rel @p2 .LBB2_13-.Ltmp6, $4  }
0x189: {  	v6 =	vld [tilespmem:s17+$0xFFFFFFB0];
	[tilespmem:s7+$0x60] =	vst v10;
	s7 =	smov.u32 s17  }
0x18a: {  	v2 =	vmov v11;
	v4 =	vld [tilespmem:s17+$0xFFFFFFC0];
	v12 =	vmul.f32 v11, v7  }
0x18b: {  	v10 =	vmul.f32 v3, v5;
	v5 =	vld [tilespmem:s17+$0xFFFFFFD0]  }
0x18c: {  	s24 =	sadd.s32 $0x1, s16;
	v11 =	vmov s16;
	s16 =	sadd.s32 $0x2, s16;
	v9 =	vmul.f32 v3, v9;
	v7 =	vld [tilespmem:s17+$0xFFFFFFE0];
	[tilespmem:s17+$0x70] =	vst v12  }
0x18d: {  	v12 =	vld [tilespmem:s17+$0xFFFFFFF0]  }
0x18e: {  	v13 =	vld [tilespmem:s17+$0x0]  }
0x18f: {  	[tilespmem:s17+$0xFFFFFF80] =	vst v10;
	v26 =	vand.u32 $0x7E, v11;
	v8 =	vmul.f32 v3, v8;
	v14 =	vld [tilespmem:s17+$0x10]  }
0x190: {  	v29 =	vld [tilespmem:s17+$0x20];
	v10 =	vor.u32 $0x100, v26;
	[tilespmem:s17+$0xFFFFFF90] =	vst v9;
	v6 =	vmul.f32 v3, v6  }
0x191: {  	v30 =	vld [tilespmem:s17+$0x30];
	v10 =	vbroadcast v10, $0x0;
	[tilespmem:s17+$0xFFFFFFA0] =	vst v8;
	v4 =	vmul.f32 v3, v4  }
0x192: {  	v31 =	vld [tilespmem:s17+$0x40];
	[tilespmem:s17+$0xFFFFFFB0] =	vst v6;
	v5 =	vmul.f32 v3, v5  }
0x193: {  	v33 =	vld [tilespmem:s17+$0x50];
	[tilespmem:s17+$0xFFFFFFC0] =	vst v4;
	v32 =	vmul.f32 v3, v7;
	v3 =	vmul.f32 v3, v12  }
0x194: {  	v34 =	vld [tilespmem:s17+$0x60];
	s16 =	sadd.s32 $0x100, s17;
	[tilespmem:s17+$0xFFFFFFD0] =	vst v5;
	v35 =	vmul.f32 v2, v13  }
0x195: {  	v37 =	vld [tilespmem:s16+$0x70];
	[tilespmem:s17+$0xFFFFFFF0] =	vst v3;
	v3 =	vmul.f32 v2, v14  }
0x196: {  	v27 =	vmov s24;
	v38 =	vld [tilespmem:s16+$0xFFFFFF80];
	[tilespmem:s17+$0x0] =	vst v35  }
0x197: {  	v11 =	vand.u32 $0x7F, v27;
	v10 =	vld.idx.msk [tilespmem:v10+s30+$0x0], $0xffff;
	[tilespmem:s7+$0x10] =	vst v3;
	v3 =	vmul.f32 v2, v30  }
0x198: {  	v40 =	vld [tilespmem:s16+$0xFFFFFF90];
	v11 =	vor.u32 $0x100, v11;
	v36 =	vmul.f32 v2, v29;
	[tilespmem:s17+$0xFFFFFFE0] =	vst v32  }
0x199: {  	v42 =	vld [tilespmem:s16+$0xFFFFFFB0];
	v28 =	vbroadcast v11, $0x0;
	[tilespmem:s7+$0x30] =	vst v3;
	v3 =	vmul.f32 v2, v33  }
0x19a: {  	v41 =	vld [tilespmem:s16+$0xFFFFFFA0];
	v39 =	vmul.f32 v2, v31;
	[tilespmem:s7+$0x20] =	vst v36;
	v2 =	vmul.f32 v2, v34  }
0x19b: {  	v44 =	vld [tilespmem:s16+$0xFFFFFFD0];
	[tilespmem:s7+$0x50] =	vst v3  }
0x19c: {  	v3 =	vld [tilespmem:s16+$0xFFFFFFC0];
	[tilespmem:s7+$0x60] =	vst v2;
	v2 =	vmul.f32 v10, v38  }
0x19d: {  	v46 =	vld [tilespmem:s16+$0xFFFFFFF0];
	[tilespmem:s7+$0x40] =	vst v39;
	v6 =	vmul.f32 v10, v40  }
0x19e: {  	v45 =	vld [tilespmem:s16+$0xFFFFFFE0];
	v4 =	vmul.f32 v10, v42;
	[tilespmem:s16+$0xFFFFFF80] =	vst v2  }
0x19f: {  	v9 =	vld.idx.msk [tilespmem:v28+s30+$0x0], $0xffff;
	v2 =	vmul.f32 v10, v41;
	[tilespmem:s16+$0xFFFFFF90] =	vst v6  }
0x1a0: {  	v47 =	vld [tilespmem:s16+$0x0];
	v48 =	vmul.f32 v10, v44;
	[tilespmem:s16+$0xFFFFFFB0] =	vst v4  }
0x1a1: {  	[tilespmem:s16+$0xFFFFFFA0] =	vst v2;
	v2 =	vmul.f32 v10, v3;
	v3 =	vld [tilespmem:s16+$0x10]  }
0x1a2: {  	v49 =	vld [tilespmem:s16+$0x20];
	v51 =	vmul.f32 v10, v46;
	[tilespmem:s16+$0xFFFFFFD0] =	vst v48  }
0x1a3: {  	v50 =	vld [tilespmem:s16+$0x30];
	[tilespmem:s16+$0xFFFFFFC0] =	vst v2;
	v2 =	vmul.f32 v10, v45  }
0x1a4: {  	v52 =	vld [tilespmem:s16+$0x40];
	v43 =	vmul.f32 v9, v37;
	[tilespmem:s16+$0xFFFFFFF0] =	vst v51  }
0x1a5: {  	v53 =	vld [tilespmem:s16+$0x50];
	[tilespmem:s16+$0xFFFFFFE0] =	vst v2;
	v2 =	vmul.f32 v9, v47  }
0x1a6: {  	v54 =	vld [tilespmem:s16+$0x60];
	[tilespmem:s16+$0x70] =	vst v43;
	v3 =	vmul.f32 v9, v3  }
0x1a7: {  	[tilespmem:s16+$0x0] =	vst v2;
	v2 =	vmul.f32 v9, v49  }
0x1a8: {  	[tilespmem:s16+$0x10] =	vst v3;
	v3 =	vmul.f32 v9, v50  }
0x1a9: {  	[tilespmem:s16+$0x20] =	vst v2;
	v2 =	vmul.f32 v9, v52  }
0x1aa: {  	[tilespmem:s16+$0x30] =	vst v3;
	v3 =	vmul.f32 v9, v53  }
0x1ab: {  	[tilespmem:s16+$0x40] =	vst v2;
	v2 =	vmul.f32 v9, v54  }
0x1ac: {  	[tilespmem:s16+$0x50] =	vst v3  }
0x1ad: {  	[tilespmem:s16+$0x60] =	vst v2  }
0x1ae: {  	v2 =	vld.idx.msk [tilespmem:v1+s30+$0x0], $0xffff  }
0x1af: {  	v3 =	vld [tilespmem:$0x8600]  }
0x1b0: {  	v55 =	vld [tilespmem:$0x8610]  }
0x1b1: {  	v56 =	vld [tilespmem:$0x8620]  }
0x1b2: {  	v57 =	vld [tilespmem:$0x8630]  }
0x1b3: {  	v58 =	vld [tilespmem:$0x8640]  }
0x1b4: {  	v59 =	vld [tilespmem:$0x8650];
	v3 =	vmul.f32 v2, v3  }
0x1b5: {  	v60 =	vld [tilespmem:$0x8660];
	v4 =	vmul.f32 v2, v55  }
0x1b6: {  	v61 =	vld [tilespmem:$0x8670];
	[tilespmem:$0x8600] =	vst v3;
	v3 =	vmul.f32 v2, v56  }
0x1b7: {  	v62 =	vmul.f32 v2, v57;
	[tilespmem:$0x8610] =	vst v4  }
0x1b8: {  	[tilespmem:$0x8620] =	vst v3;
	v3 =	vmul.f32 v2, v58  }
0x1b9: {  	v63 =	vmul.f32 v2, v59;
	[tilespmem:$0x8630] =	vst v62  }
0x1ba: {  	[tilespmem:$0x8640] =	vst v3;
	v3 =	vmul.f32 v2, v60  }
0x1bb: {  	[tilespmem:$0x8650] =	vst v63;
	v2 =	vmul.f32 v2, v61  }
0x1bc: {  	[tilespmem:$0x8660] =	vst v3  }
.Ltmp7:
0x1bd: {  	s24 =	simm.s32 $0x680;
	[tilespmem:$0x8670] =	vst v2;
	(pc) =	sbr.rel @p1 .LBB2_16-.Ltmp7, $4  }
0x1be: {  	[spmem:s3] =	stream.indirect.scatter.add.f32 [tilespmem:s25], [sflag:$0x7], $0x80, s24, s2, $0xb8;
	[tilespmem:$0x1E880] =	vst v63  }
0x1bf: {  	_ =	swait.ge [sflag:s19], $0x3E80  }
0x1c0: {  	[sflag:s19] =	ssyncset.done $0x0  }
0x1c1: {  	[sflag:s19] =	ssyncadd.s32 $0xFFFFC180  }
0x1c2: {  	_ =	swait.ge [sflag:s26], $0x180  }
0x1c3: {  	[sflag:s26] =	ssyncset.done $0x0  }
0x1c4: {  	[sflag:s26] =	ssyncadd.s32 $0xFFFFFE80  }
0x1c5: {  	[tilespmem:s25], [sflag:$0x2] =	stream.indirect.gather [hbm4b:s1+s21], $0x80, s20, s21, $0xb8;
	[tilespmem:$0x1E880] =	vst v63  }
.Ltmp8:
0x1c6: {  	s7 =	simm.s32 $0x240;
	s24 =	sadd.s32 s15, s14;
	(pc) =	sbr.rel .LBB2_6-.Ltmp8, $4  }
0x1c7: {  	[tilespmem:s28], [sflag:$0x2] =	stream.indirect.gather [hbm4b:s1+s23], $0x80, s7, s23, $0xb8;
	[tilespmem:$0x1E880] =	vst v63  }
0x1c8: {  	s7 =	sshrl.u32 s24, $0x3  }
0x1c9: {  	s9 =	sadd.s32 $0x1, s9;
	s7 =	sadd.s32 s5, s7  }
0x1ca: {  	[tilespmem:s30], [sflag:$0x6] =	stream.linear.gather [hbm4b:s7+s4], $0x180, $0x38;
	[tilespmem:$0x1E880] =	vst v63  }
.LBB2_16:
0x1cb: {  	s0 =	stileid.u32;
	[bflag:$0x0] =	sbarrier.arrive $0xFFFF  }
.Ltmp9:
0x1cc: {  	s0 =	sshll.u32 s0, $0x6;
	s15 =	rddreg [dreg:$0xa];
	(pc) =	sbr.rel @!p0 .LBB2_18-.Ltmp9, $4  }
0x1cd: {  	s9 =	rddreg [dreg:$0xb];
	s0 =	sor.u32 $0x1C07, s0;
	s7 =	sshrl.u32 s15, $0x3  }
0x1ce: {  	[hbm:s9], [sflag:s0] =	dma.local [spmem:s7], $0x500  }
0x1cf: {  	s17 =	rddreg [dreg:$0x5]  }
0x1d0: {  	s9 =	sadd.s32 $0x5000, s9;
	_ =	swait.ge [sflag:s19], $0x500;
	s7 =	sadd.s32 $0xFFFFFFFF, s17  }
.LBB2_17:
0x1d1: {  	[sflag:s19] =	ssyncset.done $0x0;
	s15 =	sadd.s32 $0x28000, s15;
	p0 =	sne.s32 s7, $0x1  }
.Ltmp10:
0x1d2: {  	s16 =	sshrl.u32 s15, $0x3;
	[sflag:s19] =	ssyncadd.s32 $0xFFFFFB00;
	(pc) =	sbr.rel @p0 .LBB2_17-.Ltmp10, $3  }
0x1d3: {  	[hbm:s9], [sflag:s0] =	dma.local [spmem:s16], $0x500  }
0x1d4: {  	s7 =	sadd.s32 $0xFFFFFFFF, s7;
	_ =	sdelay $0x1  }
0x1d5: {  	s9 =	sadd.s32 $0x5000, s9;
	_ =	swait.ge [sflag:s19], $0x500  }
.LBB2_18:
0x1d6: {  	s7 =	rddreg [dreg:$0xc]  }
0x1d7: {  	s0 =	rddreg [dreg:$0x9];
	s7 =	sadd.s32 $0x1, s7  }
0x1d8: {  	p0 =	sne.s32 s7, s0  }
.Ltmp11:
0x1d9: {  	_ = 	snop;
	(pc) =	sbr.rel @p0 .LBB2_1-.Ltmp11, $3  }
0x1da: {  	_ =	sdelay $0x1  }
0x1db: {  	[sflag:s19] =	ssyncset.done $0x0  }
0x1dc: {  	[sflag:s19] =	ssyncadd.s32 $0xFFFFFB00  }
0x1dd: {  	_ =	sfence.sel $0x180000  }
0x1de: {  	[bflag:$0x0] =	sbarrier.arrive $0xFFFF  }
0x1df: {  	_ =	strace $0x90000047  }
0x1e0: {  	s0 =	stileid.u32;
	[bflag:$0x2] =	sbarrier.arrive $0xFFFF  }
0x1e1: {  	p0 =	sne.s32 s0, $0x0;
	s0 =	rddreg [dreg:$0x3]  }
0x1e2: {  	s0 =	sadd.s32 @!p0 $0x100000, s0  }
0x1e3: {  	[sflag:s0] =	ssyncadd.tile.s32 @!p0 $0x1;
	_ =	shalt  }
.Lfunc_end2:
_tile_overlayer_lowered:
.L_overlay_start_2:
0x1e4: {  	(tag) =	ssettag $0x2  }
0x1e5: {  	s0 =	rddreg [dreg:$0x0];
	s2 =	stileid.u32  }
0x1e6: {  	s1 =	rddreg [dreg:$0x1];
	p0 =	sne.s32 s2, $0x0  }
0x1e7: {  	s3 =	rddreg [dreg:$0x2];
	[bflag:$0x3] =	sbarrier.arrive $0xFFFF;
	s2 =	simm.s32 @!p0 $0x1C07  }
0x1e8: {  	[timem:s3], [sflag:s2] =	dma.local @!p0 [hbm:s0], s1  }
0x1e9: {  	s0 =	simm.s32 @!p0 $0x7  }
0x1ea: {  	_ =	swait.ge @!p0 [sflag:s0], s1  }
0x1eb: {  	s1 =	ssub.s32 @!p0 $0x0, s1;
	[sflag:s0] =	ssyncset.done @!p0 $0x0  }
0x1ec: {  	[sflag:s0] =	ssyncadd.s32 @!p0 s1  }
0x1ed: {  	[bflag:$0x3] =	sbarrier.arrive $0xFFFF  }
0x1ee: {  	_ =	shalt  }

</sc_bundles>
